<compile_context>
chip_gen: v7x
topology: tpu7x:2x2x1
jax: 0.10.2.dev20260603
libtpu: 0.0.44.dev20260713+nightly
codegen_flags: <defaults>
</compile_context>

<pallas_src>
import functools
import math

import jax
import jax.numpy as jnp
from jax import lax
from jax.experimental import pallas as pl
from jax.experimental.pallas import tpu as pltpu
from jax.experimental.pallas import tpu_sc as plsc


F32 = jnp.float32
I32 = jnp.int32


def _silu(x):
    return x * jax.nn.sigmoid(x)


@functools.partial(jax.jit, static_argnames=("chunk", "n_workers"))
def _sc_gather(table, idx, chunk, n_workers):
    rows = idx.shape[0]
    d = table.shape[1]
    per_w = rows // n_workers
    n_chunks = per_w // chunk
    mesh = plsc.VectorSubcoreMesh(core_axis_name="c", subcore_axis_name="s")

    @functools.partial(
        pl.kernel,
        out_type=jax.ShapeDtypeStruct((rows, d), table.dtype),
        mesh=mesh,
        scratch_types=[
            pltpu.VMEM((chunk,), I32),
            pltpu.VMEM((chunk,), I32),
            pltpu.VMEM((chunk, d), table.dtype),
            pltpu.VMEM((chunk, d), table.dtype),
            pltpu.SemaphoreType.DMA,
            pltpu.SemaphoreType.DMA,
        ],
    )
    def gather_kernel(table_hbm, idx_hbm, out_hbm, idx_v0, idx_v1,
                      rows_v0, rows_v1, sem0, sem1):
        wid = lax.axis_index("s") * 2 + lax.axis_index("c")

        @pl.when(wid < n_workers)
        def _():
            base = wid * per_w
            idx_v = (idx_v0, idx_v1)
            rows_v = (rows_v0, rows_v1)
            sem = (sem0, sem1)
            pltpu.sync_copy(idx_hbm.at[pl.ds(base, chunk)], idx_v0)
            cps = [pltpu.async_copy(table_hbm.at[idx_v0], rows_v0, sem0)]
            for c in range(n_chunks):
                cur = c % 2
                nxt = (c + 1) % 2
                if c + 1 < n_chunks:
                    off_n = base + (c + 1) * chunk
                    pltpu.sync_copy(idx_hbm.at[pl.ds(off_n, chunk)],
                                    idx_v[nxt])
                    cps.append(pltpu.async_copy(
                        table_hbm.at[idx_v[nxt]], rows_v[nxt], sem[nxt]))
                cps[c].wait()
                off = base + c * chunk
                pltpu.sync_copy(rows_v[cur], out_hbm.at[pl.ds(off, chunk)])

    return gather_kernel(table, idx)


def _prep_body(z_ref, sp_ref, b_ref, t_ref, sptab_ref, tw1_ref, tb1_ref,
               tw2_ref, tb2_ref, nwz_ref, nws_ref, nb_ref, w1a_ref, w1b_ref,
               w1d_ref, b1_ref, h_out, tn_out, a_out, bv_out, *, n_batch,
               time_dim):
    half = time_dim // 2
    tcol = t_ref[...]
    ilane = lax.broadcasted_iota(I32, (1, half), 1).astype(F32)
    freqs = jnp.exp(ilane * F32(-(math.log(10000.0) / (half - 1))))
    a = tcol * freqs
    emb = jnp.concatenate([jnp.sin(a), jnp.cos(a)], axis=1)
    e1 = _silu(_bdot(emb, tw1_ref) + tb1_ref[...])
    temb = _bdot(e1, tw2_ref) + tb2_ref[...]
    pad_rows = 128 - n_batch
    temb_pad = jnp.concatenate(
        [temb, jnp.zeros((pad_rows, time_dim), F32)], axis=0)

    lane128 = lax.broadcasted_iota(I32, (1, 128), 1)
    b_oh = (b_ref[...] == lane128).astype(F32)
    tn = jnp.dot(b_oh, temb_pad, preferred_element_type=F32)

    s_oh = (sp_ref[...] == lane128).astype(F32)
    spemb = jnp.dot(s_oh, sptab_ref[...], preferred_element_type=F32)

    h0 = _bdot(z_ref[...], nwz_ref) + _bdot(spemb, nws_ref) + nb_ref[...]

    h_out[...] = h0
    tn_out[...] = tn
    a_out[...] = _bdot(h0, w1a_ref)
    bv_out[...] = _bdot(h0, w1b_ref) + _bdot(tn, w1d_ref) + b1_ref[...]


def _knn_body(xq_ref, yq_ref, zq_ref, bq_ref, xc_ref, yc_ref, zc_ref, bc_ref,
              lo_ref, hi_ref, nbr_out, w_out, *, rows, cols, k, kp):
    g = pl.program_id(0)
    r0 = g * rows
    xi = xq_ref[0]
    yi = yq_ref[0]
    zi = zq_ref[0]
    bi = bq_ref[0]
    sqi = xi * xi + yi * yi + zi * zi
    xib = xi.astype(jnp.bfloat16).astype(F32)
    yib = yi.astype(jnp.bfloat16).astype(F32)
    zib = zi.astype(jnp.bfloat16).astype(F32)
    rid = r0 + lax.broadcasted_iota(I32, (1, rows), 1)
    lo = lo_ref[g]
    hi = hi_ref[g]
    base = (lo // cols) * cols
    n_chunk = (hi - base + cols - 1) // cols
    inf = F32(jnp.inf)
    bigi = I32(2**31 - 1)

    def chunk_body(c, carry):
        vals, idxs = carry
        c0 = base + c * cols
        col_id = c0 + lax.broadcasted_iota(I32, (cols, 1), 0)
        xj = xc_ref[pl.ds(c0, cols), 0:1]
        yj = yc_ref[pl.ds(c0, cols), 0:1]
        zj = zc_ref[pl.ds(c0, cols), 0:1]
        bj = bc_ref[pl.ds(c0, cols), 0:1]
        sqj = xj * xj + yj * yj + zj * zj
        xjb = xj.astype(jnp.bfloat16).astype(F32)
        yjb = yj.astype(jnp.bfloat16).astype(F32)
        zjb = zj.astype(jnp.bfloat16).astype(F32)
        dot = xjb * xib + yjb * yib + zjb * zib
        d2 = jnp.maximum(sqi + sqj - 2.0 * dot, 0.0)
        valid = (bj == bi) & (col_id != rid)
        d2 = jnp.where(valid, d2, inf)
        cand = jnp.concatenate([vals, d2], axis=0)
        cidx = jnp.concatenate(
            [idxs, jnp.broadcast_to(col_id, (cols, rows))], axis=0)
        new_v, new_i = [], []
        for _ in range(k):
            m = jnp.min(cand, axis=0, keepdims=True)
            sel = jnp.where(cand == m, cidx, bigi)
            jm = jnp.min(sel, axis=0, keepdims=True)
            cand = jnp.where(cidx == jm, inf, cand)
            new_v.append(m)
            new_i.append(jm)
        vals = jnp.concatenate(
            new_v + [jnp.full((kp - k, rows), inf, F32)], axis=0)
        idxs = jnp.concatenate(
            new_i + [jnp.zeros((kp - k, rows), I32)], axis=0)
        return vals, idxs

    vals0 = jnp.full((kp, rows), inf, F32)
    idxs0 = jnp.zeros((kp, rows), I32)
    vals, idxs = lax.fori_loop(0, n_chunk, chunk_body, (vals0, idxs0))
    nbr_out[0] = idxs
    w_out[0] = jnp.where(vals < inf, F32(1.0), F32(0.0))


def _knn_call(xq, yq, zq, bq, xc, yc, zc, bc, lo_b, hi_b, *, n_tiles, tile,
              cols, k, kp):
    qspec = lambda: pl.BlockSpec((1, 1, tile), lambda i: (i, 0, 0))
    tspec = lambda: pl.BlockSpec((1, kp, tile), lambda i: (i, 0, 0))
    full = lambda arr: pl.BlockSpec(arr.shape, lambda i: (0,) * arr.ndim)
    knn = pl.pallas_call(
        functools.partial(_knn_body, rows=tile, cols=cols, k=k, kp=kp),
        grid=(n_tiles,),
        in_specs=[
            qspec(), qspec(), qspec(), qspec(),
            full(xc), full(yc), full(zc), full(bc),
            pl.BlockSpec(memory_space=pltpu.SMEM),
            pl.BlockSpec(memory_space=pltpu.SMEM),
        ],
        out_specs=[tspec(), tspec()],
        out_shape=[jax.ShapeDtypeStruct((n_tiles, kp, tile), I32),
                   jax.ShapeDtypeStruct((n_tiles, kp, tile), jnp.float32)],
    )
    return knn(xq, yq, zq, bq, xc, yc, zc, bc, lo_b, hi_b)


def _bdot(x, w_ref):
    return jnp.dot(x.astype(jnp.bfloat16), w_ref[...],
                   preferred_element_type=F32)


def _layer_body(*refs, k, last):
    (h_ref, bv_ref, tn_ref, w_ref, cd_ref, g_ref, gx_ref, gy_ref, gz_ref,
     w1c_ref, w2_ref, b2_ref, cw1_ref, cb1_ref, cw2_ref,
     nw1a_ref, nw1b_ref, nw1c_ref, nb1_ref, nw2_ref, nb2_ref) = refs[:21]
    if last:
        h_out, coord_out, csc_ref = refs[21:]
    else:
        w1a_ref, w1b_ref, w1d_ref, b1_ref = refs[21:25]
        h_out, coord_out, a_out, bv_out, csc_ref = refs[25:]

    h = h_ref[...]
    bv = bv_ref[...]
    tn = tn_ref[...]
    w = w_ref[...]
    cd = cd_ref[...]
    w1c = w1c_ref[...].astype(F32)
    b2 = b2_ref[...]
    cb1 = cb1_ref[...]
    cw2 = cw2_ref[...].astype(F32)

    rows = h.shape[0]
    kp = w.shape[1]
    dx = gx_ref[...] - cd[:, 0:1]
    dy = gy_ref[...] - cd[:, 1:2]
    dz = gz_ref[...] - cd[:, 2:3]
    dsq = dx * dx + dy * dy + dz * dz
    dsq_b = dsq.astype(jnp.bfloat16).astype(F32)
    dist = jnp.sqrt(dsq + F32(1e-8))

    m_acc = jnp.zeros((rows, 128), F32)
    for kk in range(k):
        gk = g_ref[kk]
        m1 = _silu(gk + bv + dsq_b[:, kk:kk + 1] * w1c)
        mij = _silu(_bdot(m1, w2_ref) + b2)
        c1 = _silu(_bdot(mij, cw1_ref) + cb1)
        csc_ref[:, kk:kk + 1] = jnp.sum(
            c1.astype(jnp.bfloat16).astype(F32) * cw2, axis=1, keepdims=True)
        m_acc = m_acc + mij * w[:, kk:kk + 1]

    cf = jnp.where(w > 0.0, csc_ref[...] * w, 0.0) / dist
    cx = jnp.sum(dx * cf, axis=1, keepdims=True)
    cy = jnp.sum(dy * cf, axis=1, keepdims=True)
    cz = jnp.sum(dz * cf, axis=1, keepdims=True)

    hu = _silu(_bdot(h, nw1a_ref) + _bdot(m_acc, nw1b_ref)
               + _bdot(tn, nw1c_ref) + nb1_ref[...])
    h_new = h + _bdot(hu, nw2_ref) + nb2_ref[...]
    h_out[...] = h_new
    coord_out[...] = jnp.concatenate(
        [cx, cy, cz, jnp.zeros((rows, 1), F32)], axis=1)
    if not last:
        a_out[...] = _bdot(h_new, w1a_ref)
        bv_out[...] = (_bdot(h_new, w1b_ref) + _bdot(tn, w1d_ref)
                       + b1_ref[...])


def kernel(z_nodes, t, cart_coords, batch_indices, species, params):
    n = z_nodes.shape[0]
    n_batch = t.shape[0]
    d = z_nodes.shape[1]
    time_dim = params['time_w2'].shape[1]
    k = min(12, n // n_batch - 1)
    kp = 16
    tile = 1000
    n_tiles = n // tile
    tile_k = 200
    n_tiles_k = n // tile_k
    cols = 512
    n_pad = ((n + cols + 127) // 128) * 128

    f32 = F32
    coords = cart_coords.astype(f32)
    batch_i32 = batch_indices.astype(I32)

    xq = coords[:, 0].reshape(n_tiles_k, 1, tile_k)
    yq = coords[:, 1].reshape(n_tiles_k, 1, tile_k)
    zq = coords[:, 2].reshape(n_tiles_k, 1, tile_k)
    bq = batch_i32.reshape(n_tiles_k, 1, tile_k)
    xc = jnp.pad(coords[:, 0], (0, n_pad - n))[:, None]
    yc = jnp.pad(coords[:, 1], (0, n_pad - n))[:, None]
    zc = jnp.pad(coords[:, 2], (0, n_pad - n))[:, None]
    bc = jnp.pad(batch_i32, (0, n_pad - n), constant_values=-1)[:, None]
    b_col = batch_i32[:, None]
    sp_col = species.astype(I32)[:, None]
    coords16 = jnp.pad(coords, ((0, 0), (0, 13)))

    r0s = jnp.arange(n_tiles_k) * tile_k
    first_b = batch_i32[r0s]
    last_b = batch_i32[jnp.minimum(r0s + tile_k - 1, n - 1)]
    lo_b = jnp.searchsorted(batch_i32, first_b, side='left').astype(I32)
    hi_b = jnp.searchsorted(batch_i32, last_b, side='right').astype(I32)

    p = params
    sptab = jnp.pad(p['species_table'],
                    ((0, 128 - p['species_table'].shape[0]), (0, 0)))
    node_w = p['node_w']
    nwz = node_w[:d]
    nws = node_w[d:]
    layers = p['layers']

    def split_edge_w1(lp):
        w1 = lp['edge_w1']
        return (w1[:128], w1[128:256], w1[256:257], w1[257:])

    w1a0, w1b0, w1c0, w1d0 = split_edge_w1(layers[0])

    row = lambda v: v[None, :]

    grid = (n_tiles,)
    bspec = lambda bs, im: pl.BlockSpec(bs, im)
    full = lambda arr: pl.BlockSpec(arr.shape, lambda i: (0,) * arr.ndim)
    tile_spec = lambda w: pl.BlockSpec((tile, w), lambda i: (i, 0))

    prep = pl.pallas_call(
        functools.partial(_prep_body, n_batch=n_batch, time_dim=time_dim),
        grid=grid,
        in_specs=[
            tile_spec(d), tile_spec(1), tile_spec(1),
            full(t[:, None]), full(sptab),
            full(p['time_w1']), full(row(p['time_b1'])),
            full(p['time_w2']), full(row(p['time_b2'])),
            full(nwz), full(nws), full(row(p['node_b'])),
            full(w1a0), full(w1b0), full(w1d0),
            full(row(layers[0]['edge_b1'])),
        ],
        out_specs=[tile_spec(128), tile_spec(time_dim),
                   tile_spec(128), tile_spec(128)],
        out_shape=[jax.ShapeDtypeStruct((n, 128), f32),
                   jax.ShapeDtypeStruct((n, time_dim), f32),
                   jax.ShapeDtypeStruct((n, 128), f32),
                   jax.ShapeDtypeStruct((n, 128), f32)],
    )
    bfw = lambda a: a.astype(jnp.bfloat16)
    h, tn, a_cur, bv_cur = prep(
        z_nodes.astype(f32), sp_col, b_col, t.astype(f32)[:, None], sptab,
        bfw(p['time_w1']), row(p['time_b1']),
        bfw(p['time_w2']), row(p['time_b2']),
        bfw(nwz), bfw(nws), row(p['node_b']),
        bfw(w1a0), bfw(w1b0), bfw(w1d0),
        row(layers[0]['edge_b1']))

    nbr_t3, wgt_t3 = _knn_call(xq, yq, zq, bq, xc, yc, zc, bc, lo_b, hi_b,
                               n_tiles=n_tiles_k, tile=tile_k, cols=cols,
                               k=k, kp=kp)
    wgt = wgt_t3.transpose(0, 2, 1).reshape(n, kp)

    src_flat = nbr_t3[:, :k, :].transpose(1, 0, 2).reshape(k * n)
    src_flat = jnp.clip(src_flat, 0, n - 1)
    coords_tab = jnp.pad(coords, ((0, 0), (0, 128 - coords.shape[1])))
    cg = _sc_gather(coords_tab, src_flat, chunk=400, n_workers=30)
    cg4 = lax.optimization_barrier(cg[:, :4])
    pad4 = ((0, 0), (0, kp - k))
    cg4t = cg4.reshape(k, n, 4).transpose(1, 0, 2)
    gx16 = jnp.pad(cg4t[:, :, 0], pad4)
    gy16 = jnp.pad(cg4t[:, :, 1], pad4)
    gz16 = jnp.pad(cg4t[:, :, 2], pad4)

    bf = lambda a: a.astype(jnp.bfloat16)

    total = jnp.zeros((n, 4), f32)
    for li, lp in enumerate(layers):
        last = li == len(layers) - 1
        g3 = _sc_gather(a_cur, src_flat, chunk=400, n_workers=30)
        g3 = g3.reshape(k, n, 128)

        in_specs = [
            tile_spec(128), tile_spec(128), tile_spec(time_dim),
            tile_spec(kp), tile_spec(16),
            pl.BlockSpec((k, tile, 128), lambda i: (0, i, 0)),
            tile_spec(kp), tile_spec(kp), tile_spec(kp),
        ]
        _, _, w1c_l, _ = split_edge_w1(lp)
        args = [h, bv_cur, tn, wgt, coords16, g3, gx16, gy16, gz16,
                bf(row(w1c_l[0])), bf(lp['edge_w2']), row(lp['edge_b2']),
                bf(lp['coord_w1']), row(lp['coord_b1']),
                bf(row(lp['coord_w2'][:, 0])),
                bf(lp['node_w1'][:128]), bf(lp['node_w1'][128:256]),
                bf(lp['node_w1'][256:]), row(lp['node_b1']),
                bf(lp['node_w2']), row(lp['node_b2'])]
        in_specs += [full(a) for a in args[9:]]
        out_specs = [tile_spec(128), tile_spec(4)]
        out_shape = [jax.ShapeDtypeStruct((n, 128), f32),
                     jax.ShapeDtypeStruct((n, 4), f32)]
        if not last:
            nxt = layers[li + 1]
            w1a_n, w1b_n, _, w1d_n = split_edge_w1(nxt)
            extra = [bf(w1a_n), bf(w1b_n), bf(w1d_n), row(nxt['edge_b1'])]
            args += extra
            in_specs += [full(a) for a in extra]
            out_specs += [tile_spec(128), tile_spec(128)]
            out_shape += [jax.ShapeDtypeStruct((n, 128), f32),
                          jax.ShapeDtypeStruct((n, 128), f32)]

        layer_call = pl.pallas_call(
            functools.partial(_layer_body, k=k, last=last),
            grid=grid,
            in_specs=in_specs,
            out_specs=out_specs,
            out_shape=out_shape,
            scratch_shapes=[pltpu.VMEM((tile, kp), f32)],
            )
        outs = layer_call(*args)
        if last:
            h, coord_d = outs
        else:
            h, coord_d, a_cur, bv_cur = outs
        total = total + coord_d

    return total[:, :3], h

# --- scband reference (transcript-rebuilt; emitter-appended) ---
"""Pipeline reference for scband-crystal-dynamics-77979426226215 (READ-ONLY COPY).

The authoritative reference and input builder live on the scoring server;
editing this copy changes nothing except your own understanding.
"""

import math
import jax, jax.numpy as jnp
import numpy as np

N = 10000
B = 100
LATENT_DIM = 128
NODE_DIM = 128
TIME_DIM = 64
SPECIES_EMB_DIM = 32
NUM_LAYERS = 4
K_NEIGHBORS = 12
NUM_SPECIES = 119


def _lin(x, W, b=None):
    y = x @ W
    if b is not None:
        y = y + b
    return y


def _sinusoidal(time, dim):
    half = dim // 2
    emb = math.log(10000) / (half - 1)
    freqs = jnp.exp(jnp.arange(half, dtype=jnp.float32) * -emb)
    a = time[:, None] * freqs[None, :]
    return jnp.concatenate([jnp.sin(a), jnp.cos(a)], axis=-1)


def _time_mlp(p, t):
    e = _sinusoidal(t, TIME_DIM)
    e = jax.nn.silu(_lin(e, p['time_w1'], p['time_b1']))
    return _lin(e, p['time_w2'], p['time_b2'])


def _build_graph(coords, batch, k_neighbors=K_NEIGHBORS):
    n = coords.shape[0]
    k = min(k_neighbors, n // B - 1)
    sq = jnp.sum(coords * coords, axis=1)
    d2 = sq[:, None] + sq[None, :] - 2.0 * (coords @ coords.T)
    d2 = jnp.maximum(d2, 0.0)
    mask = batch[:, None] == batch[None, :]
    d2 = jnp.where(mask, d2, jnp.inf)
    idx = jnp.arange(n)
    d2 = d2.at[idx, idx].set(jnp.inf)
    neg_vals, nbr = jax.lax.top_k(-d2, k)
    topk_d2 = -neg_vals
    edge_dst = jnp.repeat(idx, k)
    edge_src = nbr.reshape(-1)
    edge_w = (~jnp.isinf(topk_d2.reshape(-1)))[:, None].astype(coords.dtype)
    return edge_src, edge_dst, edge_w


def _egnn_layer(p, h, diff, dist_sq, src, dst, w, t_e, t_n):
    m = jnp.concatenate([h[src], h[dst], dist_sq, t_e], axis=-1)
    m = jax.nn.silu(_lin(m, p['edge_w1'], p['edge_b1']))
    m_ij = jax.nn.silu(_lin(m, p['edge_w2'], p['edge_b2']))
    dist = jnp.sqrt(dist_sq + 1e-08)
    c = jax.nn.silu(_lin(m_ij, p['coord_w1'], p['coord_b1']))
    c = _lin(c, p['coord_w2'])
    coord_shift = diff / dist * c
    coord_update = jnp.zeros((h.shape[0], 3), dtype=h.dtype).at[dst].add(coord_shift * w)
    m_i = jnp.zeros_like(h).at[dst].add(m_ij * w)
    hu = jnp.concatenate([h, m_i, t_n], axis=-1)
    hu = jax.nn.silu(_lin(hu, p['node_w1'], p['node_b1']))
    hu = _lin(hu, p['node_w2'], p['node_b2'])
    return h + hu, coord_update


def _make_params(key):
    keys = jax.random.split(key, 8 + NUM_LAYERS * 8)
    ki = iter(range(len(keys)))
    def mk(shape, fan):
        return jax.random.normal(keys[next(ki)], shape, dtype=jnp.float32) * (1.0 / np.sqrt(fan))
    p = {}
    p['species_table'] = mk((NUM_SPECIES, SPECIES_EMB_DIM), 1.0)
    p['time_w1'] = mk((TIME_DIM, TIME_DIM * 2), TIME_DIM)
    p['time_b1'] = jnp.zeros((TIME_DIM * 2,), jnp.float32)
    p['time_w2'] = mk((TIME_DIM * 2, TIME_DIM), TIME_DIM * 2)
    p['time_b2'] = jnp.zeros((TIME_DIM,), jnp.float32)
    p['node_w'] = mk((LATENT_DIM + SPECIES_EMB_DIM, NODE_DIM), LATENT_DIM + SPECIES_EMB_DIM)
    p['node_b'] = jnp.zeros((NODE_DIM,), jnp.float32)
    layers = []
    for _ in range(NUM_LAYERS):
        lp = {}
        lp['edge_w1'] = mk((NODE_DIM * 2 + 1 + TIME_DIM, NODE_DIM), NODE_DIM * 2 + 1 + TIME_DIM)
        lp['edge_b1'] = jnp.zeros((NODE_DIM,), jnp.float32)
        lp['edge_w2'] = mk((NODE_DIM, NODE_DIM), NODE_DIM)
        lp['edge_b2'] = jnp.zeros((NODE_DIM,), jnp.float32)
        lp['coord_w1'] = mk((NODE_DIM, NODE_DIM), NODE_DIM)
        lp['coord_b1'] = jnp.zeros((NODE_DIM,), jnp.float32)
        lp['coord_w2'] = mk((NODE_DIM, 1), NODE_DIM)
        lp['node_w1'] = mk((NODE_DIM * 2 + TIME_DIM, NODE_DIM), NODE_DIM * 2 + TIME_DIM)
        lp['node_b1'] = jnp.zeros((NODE_DIM,), jnp.float32)
        lp['node_w2'] = mk((NODE_DIM, NODE_DIM), NODE_DIM)
        lp['node_b2'] = jnp.zeros((NODE_DIM,), jnp.float32)
        layers.append(lp)
    p['layers'] = layers
    return p


def setup_inputs(seed: int = 0):
    key = jax.random.key(seed)
    ks = jax.random.split(key, 6)
    z_nodes = jax.random.normal(ks[0], (N, LATENT_DIM), dtype=jnp.float32)
    t = jax.random.uniform(ks[1], (B,), dtype=jnp.float32)
    cart_coords = jax.random.normal(ks[2], (N, 3), dtype=jnp.float32) * 3.0
    batch_indices = jnp.sort(jax.random.randint(ks[3], (N,), 0, B))
    species = jax.random.randint(ks[4], (N,), 0, NUM_SPECIES)
    params = _make_params(ks[5])
    return {'z_nodes': z_nodes, 't': t, 'cart_coords': cart_coords, 'batch_indices': batch_indices, 'species': species, 'params': params}


def reference(z_nodes, t, cart_coords, batch_indices, species, params):
    t_emb_nodes = _time_mlp(params, t)[batch_indices]
    sp_emb = params['species_table'][species]
    h = _lin(jnp.concatenate([z_nodes, sp_emb], axis=-1), params['node_w'], params['node_b'])
    edge_src, edge_dst, edge_w = _build_graph(cart_coords, batch_indices)
    diff = cart_coords[edge_src] - cart_coords[edge_dst]
    dist_sq = jnp.sum(diff * diff, axis=-1, keepdims=True)
    total_coord_shift = jnp.zeros_like(cart_coords)
    t_emb_edges = t_emb_nodes[edge_src]
    for lp in params['layers']:
        h, coord_update = _egnn_layer(lp, h, diff, dist_sq, edge_src, edge_dst, edge_w, t_emb_edges, t_emb_nodes)
        total_coord_shift = total_coord_shift + coord_update
    return total_coord_shift, h

if __name__ == "__main__":
    import jax
    _d = setup_inputs()
    print(jax.jit(kernel)(*tuple(_d.values())))

</pallas_src>

<mosaic_0001>
#map = affine_map<(d0, d1) -> (0, 0)>
#map1 = affine_map<(d0, d1) -> (0)>
module attributes {stable_mosaic.version = 14 : i64} {
  func.func @gather_kernel(%arg0: i32, %arg1: i32, %arg2: memref<10000x128xf32, #tpu.memory_space<hbm>>, %arg3: memref<120000xi32, #tpu.memory_space<hbm>>, %arg4: memref<120000x128xf32, #tpu.memory_space<hbm>>, %arg5: memref<400xi32, #tpu.memory_space<vmem>>, %arg6: memref<400xi32, #tpu.memory_space<vmem>>, %arg7: memref<400x128xf32, #tpu.memory_space<vmem>>, %arg8: memref<400x128xf32, #tpu.memory_space<vmem>>, %arg9: memref<!tpu.dma_semaphore, #tpu.memory_space<semaphore_mem>>, %arg10: memref<!tpu.dma_semaphore, #tpu.memory_space<semaphore_mem>>) attributes {dimension_semantics = [#tpu.dimension_semantics<core_parallel>, #tpu.dimension_semantics<subcore_parallel>], iteration_bounds = array<i64: 2, 16>, scalar_prefetch = 0 : i64, scratch_operands = 6 : i64, tpu.core_type = #tpu.core_type<sc_vector_subcore>, window_params = [{transform_indices = #map}, {transform_indices = #map1}, {transform_indices = #map}]} {
    %mul3A = arith.constant 2 : i32
    %mul3A_0 = arith.muli %arg1, %mul3A : i32
    %add3A = arith.addi %mul3A_0, %arg0 : i32
    %lt3A = arith.constant 30 : i32
    %lt3A_1 = arith.cmpi slt, %add3A, %lt3A : i32
    %convert_element_type3A = arith.extui %lt3A_1 : i1 to i32
    %cond3A = arith.constant 0 : i32
    %cond3A_2 = arith.cmpi ne, %convert_element_type3A, %cond3A : i32
    scf.if %cond3A_2 {
      %mul3A_3 = arith.constant 4000 : i32
      %mul3A_4 = arith.muli %add3A, %mul3A_3 : i32
      "tpu.region"() ({
        %run_scoped3A = tpu.sem_alloc : memref<!tpu.dma_semaphore, #tpu.memory_space<semaphore_mem>>
        %dma_start3A_101 = tpu.memref_slice %arg3[%mul3A_4] : memref<120000xi32, #tpu.memory_space<hbm>> -> memref<400xi32, #tpu.memory_space<hbm>>
        %dma_start3A_102 = tpu.memref_slice %arg3[%mul3A_4] : memref<120000xi32, #tpu.memory_space<hbm>> -> memref<400xi32, #tpu.memory_space<hbm>>
        tpu.enqueue_dma source(%dma_start3A_102 : memref<400xi32, #tpu.memory_space<hbm>>) target(%arg5 : memref<400xi32, #tpu.memory_space<vmem>>) target_semaphore(%run_scoped3A : memref<!tpu.dma_semaphore, #tpu.memory_space<semaphore_mem>>)
        %dma_wait3A_103 = tpu.memref_slice %arg3[%mul3A_4] : memref<120000xi32, #tpu.memory_space<hbm>> -> memref<400xi32, #tpu.memory_space<hbm>>
        %dma_wait3A_104 = tpu.memref_slice %arg3[%mul3A_4] : memref<120000xi32, #tpu.memory_space<hbm>> -> memref<400xi32, #tpu.memory_space<hbm>>
        tpu.wait_dma2 semaphore(%run_scoped3A : memref<!tpu.dma_semaphore, #tpu.memory_space<semaphore_mem>>) src(%dma_wait3A_104 : memref<400xi32, #tpu.memory_space<hbm>>) dst(%arg5 : memref<400xi32, #tpu.memory_space<vmem>>)
        tpu.yield
      }) : () -> ()
      %dma_start3A = arith.constant 0 : i32
      %dma_start3A_5 = arith.constant 0 : i32
      %dma_start3A_6 = tpu.memref_slice %arg2[%dma_start3A, %dma_start3A_5] : memref<10000x128xf32, #tpu.memory_space<hbm>> -> memref<10000x128xf32, #tpu.memory_space<hbm>>
      tpu.enqueue_indirect_dma source(%dma_start3A_6 : memref<10000x128xf32, #tpu.memory_space<hbm>>) target(%arg7 : memref<400x128xf32, #tpu.memory_space<vmem>>) offsets(%arg5 : memref<400xi32, #tpu.memory_space<vmem>>) semaphore(%arg9 : memref<!tpu.dma_semaphore, #tpu.memory_space<semaphore_mem>>)
      %add3A_7 = arith.constant 400 : i32
      %add3A_8 = arith.addi %mul3A_4, %add3A_7 : i32
      "tpu.region"() ({
        %run_scoped3A = tpu.sem_alloc : memref<!tpu.dma_semaphore, #tpu.memory_space<semaphore_mem>>
        %dma_start3A_101 = tpu.memref_slice %arg3[%add3A_8] : memref<120000xi32, #tpu.memory_space<hbm>> -> memref<400xi32, #tpu.memory_space<hbm>>
        %dma_start3A_102 = tpu.memref_slice %arg3[%add3A_8] : memref<120000xi32, #tpu.memory_space<hbm>> -> memref<400xi32, #tpu.memory_space<hbm>>
        tpu.enqueue_dma source(%dma_start3A_102 : memref<400xi32, #tpu.memory_space<hbm>>) target(%arg6 : memref<400xi32, #tpu.memory_space<vmem>>) target_semaphore(%run_scoped3A : memref<!tpu.dma_semaphore, #tpu.memory_space<semaphore_mem>>)
        %dma_wait3A_103 = tpu.memref_slice %arg3[%add3A_8] : memref<120000xi32, #tpu.memory_space<hbm>> -> memref<400xi32, #tpu.memory_space<hbm>>
        %dma_wait3A_104 = tpu.memref_slice %arg3[%add3A_8] : memref<120000xi32, #tpu.memory_space<hbm>> -> memref<400xi32, #tpu.memory_space<hbm>>
        tpu.wait_dma2 semaphore(%run_scoped3A : memref<!tpu.dma_semaphore, #tpu.memory_space<semaphore_mem>>) src(%dma_wait3A_104 : memref<400xi32, #tpu.memory_space<hbm>>) dst(%arg6 : memref<400xi32, #tpu.memory_space<vmem>>)
        tpu.yield
      }) : () -> ()
      %dma_start3A_9 = arith.constant 0 : i32
      %dma_start3A_10 = arith.constant 0 : i32
      %dma_start3A_11 = tpu.memref_slice %arg2[%dma_start3A_9, %dma_start3A_10] : memref<10000x128xf32, #tpu.memory_space<hbm>> -> memref<10000x128xf32, #tpu.memory_space<hbm>>
      tpu.enqueue_indirect_dma source(%dma_start3A_11 : memref<10000x128xf32, #tpu.memory_space<hbm>>) target(%arg8 : memref<400x128xf32, #tpu.memory_space<vmem>>) offsets(%arg6 : memref<400xi32, #tpu.memory_space<vmem>>) semaphore(%arg10 : memref<!tpu.dma_semaphore, #tpu.memory_space<semaphore_mem>>)
      %dma_wait3A = arith.constant 0 : i32
      %dma_wait3A_12 = arith.constant 0 : i32
      %dma_wait3A_13 = tpu.memref_slice %arg2[%dma_wait3A, %dma_wait3A_12] : memref<10000x128xf32, #tpu.memory_space<hbm>> -> memref<10000x128xf32, #tpu.memory_space<hbm>>
      tpu.wait_indirect_dma semaphore(%arg9 : memref<!tpu.dma_semaphore, #tpu.memory_space<semaphore_mem>>) src(%dma_wait3A_13 : memref<10000x128xf32, #tpu.memory_space<hbm>>) dst(%arg7 : memref<400x128xf32, #tpu.memory_space<vmem>>)
      %add3A_14 = arith.constant 0 : i32
      %add3A_15 = arith.addi %mul3A_4, %add3A_14 : i32
      "tpu.region"() ({
        %run_scoped3A = tpu.sem_alloc : memref<!tpu.dma_semaphore, #tpu.memory_space<semaphore_mem>>
        %dma_start3A_101 = arith.constant 0 : i32
        %dma_start3A_102 = tpu.memref_slice %arg4[%add3A_15, %dma_start3A_101] : memref<120000x128xf32, #tpu.memory_space<hbm>> -> memref<400x128xf32, #tpu.memory_space<hbm>>
        %dma_start3A_103 = arith.constant 0 : i32
        %dma_start3A_104 = tpu.memref_slice %arg4[%add3A_15, %dma_start3A_103] : memref<120000x128xf32, #tpu.memory_space<hbm>> -> memref<400x128xf32, #tpu.memory_space<hbm>>
        tpu.enqueue_dma source(%arg7 : memref<400x128xf32, #tpu.memory_space<vmem>>) target(%dma_start3A_104 : memref<400x128xf32, #tpu.memory_space<hbm>>) target_semaphore(%run_scoped3A : memref<!tpu.dma_semaphore, #tpu.memory_space<semaphore_mem>>)
        %dma_wait3A_105 = arith.constant 0 : i32
        %dma_wait3A_106 = tpu.memref_slice %arg4[%add3A_15, %dma_wait3A_105] : memref<120000x128xf32, #tpu.memory_space<hbm>> -> memref<400x128xf32, #tpu.memory_space<hbm>>
        %dma_wait3A_107 = arith.constant 0 : i32
        %dma_wait3A_108 = tpu.memref_slice %arg4[%add3A_15, %dma_wait3A_107] : memref<120000x128xf32, #tpu.memory_space<hbm>> -> memref<400x128xf32, #tpu.memory_space<hbm>>
        tpu.wait_dma2 semaphore(%run_scoped3A : memref<!tpu.dma_semaphore, #tpu.memory_space<semaphore_mem>>) src(%arg7 : memref<400x128xf32, #tpu.memory_space<vmem>>) dst(%dma_wait3A_108 : memref<400x128xf32, #tpu.memory_space<hbm>>)
        tpu.yield
      }) : () -> ()
      %add3A_16 = arith.constant 800 : i32
      %add3A_17 = arith.addi %mul3A_4, %add3A_16 : i32
      "tpu.region"() ({
        %run_scoped3A = tpu.sem_alloc : memref<!tpu.dma_semaphore, #tpu.memory_space<semaphore_mem>>
        %dma_start3A_101 = tpu.memref_slice %arg3[%add3A_17] : memref<120000xi32, #tpu.memory_space<hbm>> -> memref<400xi32, #tpu.memory_space<hbm>>
        %dma_start3A_102 = tpu.memref_slice %arg3[%add3A_17] : memref<120000xi32, #tpu.memory_space<hbm>> -> memref<400xi32, #tpu.memory_space<hbm>>
        tpu.enqueue_dma source(%dma_start3A_102 : memref<400xi32, #tpu.memory_space<hbm>>) target(%arg5 : memref<400xi32, #tpu.memory_space<vmem>>) target_semaphore(%run_scoped3A : memref<!tpu.dma_semaphore, #tpu.memory_space<semaphore_mem>>)
        %dma_wait3A_103 = tpu.memref_slice %arg3[%add3A_17] : memref<120000xi32, #tpu.memory_space<hbm>> -> memref<400xi32, #tpu.memory_space<hbm>>
        %dma_wait3A_104 = tpu.memref_slice %arg3[%add3A_17] : memref<120000xi32, #tpu.memory_space<hbm>> -> memref<400xi32, #tpu.memory_space<hbm>>
        tpu.wait_dma2 semaphore(%run_scoped3A : memref<!tpu.dma_semaphore, #tpu.memory_space<semaphore_mem>>) src(%dma_wait3A_104 : memref<400xi32, #tpu.memory_space<hbm>>) dst(%arg5 : memref<400xi32, #tpu.memory_space<vmem>>)
        tpu.yield
      }) : () -> ()
      %dma_start3A_18 = arith.constant 0 : i32
      %dma_start3A_19 = arith.constant 0 : i32
      %dma_start3A_20 = tpu.memref_slice %arg2[%dma_start3A_18, %dma_start3A_19] : memref<10000x128xf32, #tpu.memory_space<hbm>> -> memref<10000x128xf32, #tpu.memory_space<hbm>>
      tpu.enqueue_indirect_dma source(%dma_start3A_20 : memref<10000x128xf32, #tpu.memory_space<hbm>>) target(%arg7 : memref<400x128xf32, #tpu.memory_space<vmem>>) offsets(%arg5 : memref<400xi32, #tpu.memory_space<vmem>>) semaphore(%arg9 : memref<!tpu.dma_semaphore, #tpu.memory_space<semaphore_mem>>)
      %dma_wait3A_21 = arith.constant 0 : i32
      %dma_wait3A_22 = arith.constant 0 : i32
      %dma_wait3A_23 = tpu.memref_slice %arg2[%dma_wait3A_21, %dma_wait3A_22] : memref<10000x128xf32, #tpu.memory_space<hbm>> -> memref<10000x128xf32, #tpu.memory_space<hbm>>
      tpu.wait_indirect_dma semaphore(%arg10 : memref<!tpu.dma_semaphore, #tpu.memory_space<semaphore_mem>>) src(%dma_wait3A_23 : memref<10000x128xf32, #tpu.memory_space<hbm>>) dst(%arg8 : memref<400x128xf32, #tpu.memory_space<vmem>>)
      %add3A_24 = arith.constant 400 : i32
      %add3A_25 = arith.addi %mul3A_4, %add3A_24 : i32
      "tpu.region"() ({
        %run_scoped3A = tpu.sem_alloc : memref<!tpu.dma_semaphore, #tpu.memory_space<semaphore_mem>>
        %dma_start3A_101 = arith.constant 0 : i32
        %dma_start3A_102 = tpu.memref_slice %arg4[%add3A_25, %dma_start3A_101] : memref<120000x128xf32, #tpu.memory_space<hbm>> -> memref<400x128xf32, #tpu.memory_space<hbm>>
        %dma_start3A_103 = arith.constant 0 : i32
        %dma_start3A_104 = tpu.memref_slice %arg4[%add3A_25, %dma_start3A_103] : memref<120000x128xf32, #tpu.memory_space<hbm>> -> memref<400x128xf32, #tpu.memory_space<hbm>>
        tpu.enqueue_dma source(%arg8 : memref<400x128xf32, #tpu.memory_space<vmem>>) target(%dma_start3A_104 : memref<400x128xf32, #tpu.memory_space<hbm>>) target_semaphore(%run_scoped3A : memref<!tpu.dma_semaphore, #tpu.memory_space<semaphore_mem>>)
        %dma_wait3A_105 = arith.constant 0 : i32
        %dma_wait3A_106 = tpu.memref_slice %arg4[%add3A_25, %dma_wait3A_105] : memref<120000x128xf32, #tpu.memory_space<hbm>> -> memref<400x128xf32, #tpu.memory_space<hbm>>
        %dma_wait3A_107 = arith.constant 0 : i32
        %dma_wait3A_108 = tpu.memref_slice %arg4[%add3A_25, %dma_wait3A_107] : memref<120000x128xf32, #tpu.memory_space<hbm>> -> memref<400x128xf32, #tpu.memory_space<hbm>>
        tpu.wait_dma2 semaphore(%run_scoped3A : memref<!tpu.dma_semaphore, #tpu.memory_space<semaphore_mem>>) src(%arg8 : memref<400x128xf32, #tpu.memory_space<vmem>>) dst(%dma_wait3A_108 : memref<400x128xf32, #tpu.memory_space<hbm>>)
        tpu.yield
      }) : () -> ()
      %add3A_26 = arith.constant 1200 : i32
      %add3A_27 = arith.addi %mul3A_4, %add3A_26 : i32
      "tpu.region"() ({
        %run_scoped3A = tpu.sem_alloc : memref<!tpu.dma_semaphore, #tpu.memory_space<semaphore_mem>>
        %dma_start3A_101 = tpu.memref_slice %arg3[%add3A_27] : memref<120000xi32, #tpu.memory_space<hbm>> -> memref<400xi32, #tpu.memory_space<hbm>>
        %dma_start3A_102 = tpu.memref_slice %arg3[%add3A_27] : memref<120000xi32, #tpu.memory_space<hbm>> -> memref<400xi32, #tpu.memory_space<hbm>>
        tpu.enqueue_dma source(%dma_start3A_102 : memref<400xi32, #tpu.memory_space<hbm>>) target(%arg6 : memref<400xi32, #tpu.memory_space<vmem>>) target_semaphore(%run_scoped3A : memref<!tpu.dma_semaphore, #tpu.memory_space<semaphore_mem>>)
        %dma_wait3A_103 = tpu.memref_slice %arg3[%add3A_27] : memref<120000xi32, #tpu.memory_space<hbm>> -> memref<400xi32, #tpu.memory_space<hbm>>
        %dma_wait3A_104 = tpu.memref_slice %arg3[%add3A_27] : memref<120000xi32, #tpu.memory_space<hbm>> -> memref<400xi32, #tpu.memory_space<hbm>>
        tpu.wait_dma2 semaphore(%run_scoped3A : memref<!tpu.dma_semaphore, #tpu.memory_space<semaphore_mem>>) src(%dma_wait3A_104 : memref<400xi32, #tpu.memory_space<hbm>>) dst(%arg6 : memref<400xi32, #tpu.memory_space<vmem>>)
        tpu.yield
      }) : () -> ()
      %dma_start3A_28 = arith.constant 0 : i32
      %dma_start3A_29 = arith.constant 0 : i32
      %dma_start3A_30 = tpu.memref_slice %arg2[%dma_start3A_28, %dma_start3A_29] : memref<10000x128xf32, #tpu.memory_space<hbm>> -> memref<10000x128xf32, #tpu.memory_space<hbm>>
      tpu.enqueue_indirect_dma source(%dma_start3A_30 : memref<10000x128xf32, #tpu.memory_space<hbm>>) target(%arg8 : memref<400x128xf32, #tpu.memory_space<vmem>>) offsets(%arg6 : memref<400xi32, #tpu.memory_space<vmem>>) semaphore(%arg10 : memref<!tpu.dma_semaphore, #tpu.memory_space<semaphore_mem>>)
      %dma_wait3A_31 = arith.constant 0 : i32
      %dma_wait3A_32 = arith.constant 0 : i32
      %dma_wait3A_33 = tpu.memref_slice %arg2[%dma_wait3A_31, %dma_wait3A_32] : memref<10000x128xf32, #tpu.memory_space<hbm>> -> memref<10000x128xf32, #tpu.memory_space<hbm>>
      tpu.wait_indirect_dma semaphore(%arg9 : memref<!tpu.dma_semaphore, #tpu.memory_space<semaphore_mem>>) src(%dma_wait3A_33 : memref<10000x128xf32, #tpu.memory_space<hbm>>) dst(%arg7 : memref<400x128xf32, #tpu.memory_space<vmem>>)
      %add3A_34 = arith.constant 800 : i32
      %add3A_35 = arith.addi %mul3A_4, %add3A_34 : i32
      "tpu.region"() ({
        %run_scoped3A = tpu.sem_alloc : memref<!tpu.dma_semaphore, #tpu.memory_space<semaphore_mem>>
        %dma_start3A_101 = arith.constant 0 : i32
        %dma_start3A_102 = tpu.memref_slice %arg4[%add3A_35, %dma_start3A_101] : memref<120000x128xf32, #tpu.memory_space<hbm>> -> memref<400x128xf32, #tpu.memory_space<hbm>>
        %dma_start3A_103 = arith.constant 0 : i32
        %dma_start3A_104 = tpu.memref_slice %arg4[%add3A_35, %dma_start3A_103] : memref<120000x128xf32, #tpu.memory_space<hbm>> -> memref<400x128xf32, #tpu.memory_space<hbm>>
        tpu.enqueue_dma source(%arg7 : memref<400x128xf32, #tpu.memory_space<vmem>>) target(%dma_start3A_104 : memref<400x128xf32, #tpu.memory_space<hbm>>) target_semaphore(%run_scoped3A : memref<!tpu.dma_semaphore, #tpu.memory_space<semaphore_mem>>)
        %dma_wait3A_105 = arith.constant 0 : i32
        %dma_wait3A_106 = tpu.memref_slice %arg4[%add3A_35, %dma_wait3A_105] : memref<120000x128xf32, #tpu.memory_space<hbm>> -> memref<400x128xf32, #tpu.memory_space<hbm>>
        %dma_wait3A_107 = arith.constant 0 : i32
        %dma_wait3A_108 = tpu.memref_slice %arg4[%add3A_35, %dma_wait3A_107] : memref<120000x128xf32, #tpu.memory_space<hbm>> -> memref<400x128xf32, #tpu.memory_space<hbm>>
        tpu.wait_dma2 semaphore(%run_scoped3A : memref<!tpu.dma_semaphore, #tpu.memory_space<semaphore_mem>>) src(%arg7 : memref<400x128xf32, #tpu.memory_space<vmem>>) dst(%dma_wait3A_108 : memref<400x128xf32, #tpu.memory_space<hbm>>)
        tpu.yield
      }) : () -> ()
      %add3A_36 = arith.constant 1600 : i32
      %add3A_37 = arith.addi %mul3A_4, %add3A_36 : i32
      "tpu.region"() ({
        %run_scoped3A = tpu.sem_alloc : memref<!tpu.dma_semaphore, #tpu.memory_space<semaphore_mem>>
        %dma_start3A_101 = tpu.memref_slice %arg3[%add3A_37] : memref<120000xi32, #tpu.memory_space<hbm>> -> memref<400xi32, #tpu.memory_space<hbm>>
        %dma_start3A_102 = tpu.memref_slice %arg3[%add3A_37] : memref<120000xi32, #tpu.memory_space<hbm>> -> memref<400xi32, #tpu.memory_space<hbm>>
        tpu.enqueue_dma source(%dma_start3A_102 : memref<400xi32, #tpu.memory_space<hbm>>) target(%arg5 : memref<400xi32, #tpu.memory_space<vmem>>) target_semaphore(%run_scoped3A : memref<!tpu.dma_semaphore, #tpu.memory_space<semaphore_mem>>)
        %dma_wait3A_103 = tpu.memref_slice %arg3[%add3A_37] : memref<120000xi32, #tpu.memory_space<hbm>> -> memref<400xi32, #tpu.memory_space<hbm>>
        %dma_wait3A_104 = tpu.memref_slice %arg3[%add3A_37] : memref<120000xi32, #tpu.memory_space<hbm>> -> memref<400xi32, #tpu.memory_space<hbm>>
        tpu.wait_dma2 semaphore(%run_scoped3A : memref<!tpu.dma_semaphore, #tpu.memory_space<semaphore_mem>>) src(%dma_wait3A_104 : memref<400xi32, #tpu.memory_space<hbm>>) dst(%arg5 : memref<400xi32, #tpu.memory_space<vmem>>)
        tpu.yield
      }) : () -> ()
      %dma_start3A_38 = arith.constant 0 : i32
      %dma_start3A_39 = arith.constant 0 : i32
      %dma_start3A_40 = tpu.memref_slice %arg2[%dma_start3A_38, %dma_start3A_39] : memref<10000x128xf32, #tpu.memory_space<hbm>> -> memref<10000x128xf32, #tpu.memory_space<hbm>>
      tpu.enqueue_indirect_dma source(%dma_start3A_40 : memref<10000x128xf32, #tpu.memory_space<hbm>>) target(%arg7 : memref<400x128xf32, #tpu.memory_space<vmem>>) offsets(%arg5 : memref<400xi32, #tpu.memory_space<vmem>>) semaphore(%arg9 : memref<!tpu.dma_semaphore, #tpu.memory_space<semaphore_mem>>)
      %dma_wait3A_41 = arith.constant 0 : i32
      %dma_wait3A_42 = arith.constant 0 : i32
      %dma_wait3A_43 = tpu.memref_slice %arg2[%dma_wait3A_41, %dma_wait3A_42] : memref<10000x128xf32, #tpu.memory_space<hbm>> -> memref<10000x128xf32, #tpu.memory_space<hbm>>
      tpu.wait_indirect_dma semaphore(%arg10 : memref<!tpu.dma_semaphore, #tpu.memory_space<semaphore_mem>>) src(%dma_wait3A_43 : memref<10000x128xf32, #tpu.memory_space<hbm>>) dst(%arg8 : memref<400x128xf32, #tpu.memory_space<vmem>>)
      %add3A_44 = arith.constant 1200 : i32
      %add3A_45 = arith.addi %mul3A_4, %add3A_44 : i32
      "tpu.region"() ({
        %run_scoped3A = tpu.sem_alloc : memref<!tpu.dma_semaphore, #tpu.memory_space<semaphore_mem>>
        %dma_start3A_101 = arith.constant 0 : i32
        %dma_start3A_102 = tpu.memref_slice %arg4[%add3A_45, %dma_start3A_101] : memref<120000x128xf32, #tpu.memory_space<hbm>> -> memref<400x128xf32, #tpu.memory_space<hbm>>
        %dma_start3A_103 = arith.constant 0 : i32
        %dma_start3A_104 = tpu.memref_slice %arg4[%add3A_45, %dma_start3A_103] : memref<120000x128xf32, #tpu.memory_space<hbm>> -> memref<400x128xf32, #tpu.memory_space<hbm>>
        tpu.enqueue_dma source(%arg8 : memref<400x128xf32, #tpu.memory_space<vmem>>) target(%dma_start3A_104 : memref<400x128xf32, #tpu.memory_space<hbm>>) target_semaphore(%run_scoped3A : memref<!tpu.dma_semaphore, #tpu.memory_space<semaphore_mem>>)
        %dma_wait3A_105 = arith.constant 0 : i32
        %dma_wait3A_106 = tpu.memref_slice %arg4[%add3A_45, %dma_wait3A_105] : memref<120000x128xf32, #tpu.memory_space<hbm>> -> memref<400x128xf32, #tpu.memory_space<hbm>>
        %dma_wait3A_107 = arith.constant 0 : i32
        %dma_wait3A_108 = tpu.memref_slice %arg4[%add3A_45, %dma_wait3A_107] : memref<120000x128xf32, #tpu.memory_space<hbm>> -> memref<400x128xf32, #tpu.memory_space<hbm>>
        tpu.wait_dma2 semaphore(%run_scoped3A : memref<!tpu.dma_semaphore, #tpu.memory_space<semaphore_mem>>) src(%arg8 : memref<400x128xf32, #tpu.memory_space<vmem>>) dst(%dma_wait3A_108 : memref<400x128xf32, #tpu.memory_space<hbm>>)
        tpu.yield
      }) : () -> ()
      %add3A_46 = arith.constant 2000 : i32
      %add3A_47 = arith.addi %mul3A_4, %add3A_46 : i32
      "tpu.region"() ({
        %run_scoped3A = tpu.sem_alloc : memref<!tpu.dma_semaphore, #tpu.memory_space<semaphore_mem>>
        %dma_start3A_101 = tpu.memref_slice %arg3[%add3A_47] : memref<120000xi32, #tpu.memory_space<hbm>> -> memref<400xi32, #tpu.memory_space<hbm>>
        %dma_start3A_102 = tpu.memref_slice %arg3[%add3A_47] : memref<120000xi32, #tpu.memory_space<hbm>> -> memref<400xi32, #tpu.memory_space<hbm>>
        tpu.enqueue_dma source(%dma_start3A_102 : memref<400xi32, #tpu.memory_space<hbm>>) target(%arg6 : memref<400xi32, #tpu.memory_space<vmem>>) target_semaphore(%run_scoped3A : memref<!tpu.dma_semaphore, #tpu.memory_space<semaphore_mem>>)
        %dma_wait3A_103 = tpu.memref_slice %arg3[%add3A_47] : memref<120000xi32, #tpu.memory_space<hbm>> -> memref<400xi32, #tpu.memory_space<hbm>>
        %dma_wait3A_104 = tpu.memref_slice %arg3[%add3A_47] : memref<120000xi32, #tpu.memory_space<hbm>> -> memref<400xi32, #tpu.memory_space<hbm>>
        tpu.wait_dma2 semaphore(%run_scoped3A : memref<!tpu.dma_semaphore, #tpu.memory_space<semaphore_mem>>) src(%dma_wait3A_104 : memref<400xi32, #tpu.memory_space<hbm>>) dst(%arg6 : memref<400xi32, #tpu.memory_space<vmem>>)
        tpu.yield
      }) : () -> ()
      %dma_start3A_48 = arith.constant 0 : i32
      %dma_start3A_49 = arith.constant 0 : i32
      %dma_start3A_50 = tpu.memref_slice %arg2[%dma_start3A_48, %dma_start3A_49] : memref<10000x128xf32, #tpu.memory_space<hbm>> -> memref<10000x128xf32, #tpu.memory_space<hbm>>
      tpu.enqueue_indirect_dma source(%dma_start3A_50 : memref<10000x128xf32, #tpu.memory_space<hbm>>) target(%arg8 : memref<400x128xf32, #tpu.memory_space<vmem>>) offsets(%arg6 : memref<400xi32, #tpu.memory_space<vmem>>) semaphore(%arg10 : memref<!tpu.dma_semaphore, #tpu.memory_space<semaphore_mem>>)
      %dma_wait3A_51 = arith.constant 0 : i32
      %dma_wait3A_52 = arith.constant 0 : i32
      %dma_wait3A_53 = tpu.memref_slice %arg2[%dma_wait3A_51, %dma_wait3A_52] : memref<10000x128xf32, #tpu.memory_space<hbm>> -> memref<10000x128xf32, #tpu.memory_space<hbm>>
      tpu.wait_indirect_dma semaphore(%arg9 : memref<!tpu.dma_semaphore, #tpu.memory_space<semaphore_mem>>) src(%dma_wait3A_53 : memref<10000x128xf32, #tpu.memory_space<hbm>>) dst(%arg7 : memref<400x128xf32, #tpu.memory_space<vmem>>)
      %add3A_54 = arith.constant 1600 : i32
      %add3A_55 = arith.addi %mul3A_4, %add3A_54 : i32
      "tpu.region"() ({
        %run_scoped3A = tpu.sem_alloc : memref<!tpu.dma_semaphore, #tpu.memory_space<semaphore_mem>>
        %dma_start3A_101 = arith.constant 0 : i32
        %dma_start3A_102 = tpu.memref_slice %arg4[%add3A_55, %dma_start3A_101] : memref<120000x128xf32, #tpu.memory_space<hbm>> -> memref<400x128xf32, #tpu.memory_space<hbm>>
        %dma_start3A_103 = arith.constant 0 : i32
        %dma_start3A_104 = tpu.memref_slice %arg4[%add3A_55, %dma_start3A_103] : memref<120000x128xf32, #tpu.memory_space<hbm>> -> memref<400x128xf32, #tpu.memory_space<hbm>>
        tpu.enqueue_dma source(%arg7 : memref<400x128xf32, #tpu.memory_space<vmem>>) target(%dma_start3A_104 : memref<400x128xf32, #tpu.memory_space<hbm>>) target_semaphore(%run_scoped3A : memref<!tpu.dma_semaphore, #tpu.memory_space<semaphore_mem>>)
        %dma_wait3A_105 = arith.constant 0 : i32
        %dma_wait3A_106 = tpu.memref_slice %arg4[%add3A_55, %dma_wait3A_105] : memref<120000x128xf32, #tpu.memory_space<hbm>> -> memref<400x128xf32, #tpu.memory_space<hbm>>
        %dma_wait3A_107 = arith.constant 0 : i32
        %dma_wait3A_108 = tpu.memref_slice %arg4[%add3A_55, %dma_wait3A_107] : memref<120000x128xf32, #tpu.memory_space<hbm>> -> memref<400x128xf32, #tpu.memory_space<hbm>>
        tpu.wait_dma2 semaphore(%run_scoped3A : memref<!tpu.dma_semaphore, #tpu.memory_space<semaphore_mem>>) src(%arg7 : memref<400x128xf32, #tpu.memory_space<vmem>>) dst(%dma_wait3A_108 : memref<400x128xf32, #tpu.memory_space<hbm>>)
        tpu.yield
      }) : () -> ()
      %add3A_56 = arith.constant 2400 : i32
      %add3A_57 = arith.addi %mul3A_4, %add3A_56 : i32
      "tpu.region"() ({
        %run_scoped3A = tpu.sem_alloc : memref<!tpu.dma_semaphore, #tpu.memory_space<semaphore_mem>>
        %dma_start3A_101 = tpu.memref_slice %arg3[%add3A_57] : memref<120000xi32, #tpu.memory_space<hbm>> -> memref<400xi32, #tpu.memory_space<hbm>>
        %dma_start3A_102 = tpu.memref_slice %arg3[%add3A_57] : memref<120000xi32, #tpu.memory_space<hbm>> -> memref<400xi32, #tpu.memory_space<hbm>>
        tpu.enqueue_dma source(%dma_start3A_102 : memref<400xi32, #tpu.memory_space<hbm>>) target(%arg5 : memref<400xi32, #tpu.memory_space<vmem>>) target_semaphore(%run_scoped3A : memref<!tpu.dma_semaphore, #tpu.memory_space<semaphore_mem>>)
        %dma_wait3A_103 = tpu.memref_slice %arg3[%add3A_57] : memref<120000xi32, #tpu.memory_space<hbm>> -> memref<400xi32, #tpu.memory_space<hbm>>
        %dma_wait3A_104 = tpu.memref_slice %arg3[%add3A_57] : memref<120000xi32, #tpu.memory_space<hbm>> -> memref<400xi32, #tpu.memory_space<hbm>>
        tpu.wait_dma2 semaphore(%run_scoped3A : memref<!tpu.dma_semaphore, #tpu.memory_space<semaphore_mem>>) src(%dma_wait3A_104 : memref<400xi32, #tpu.memory_space<hbm>>) dst(%arg5 : memref<400xi32, #tpu.memory_space<vmem>>)
        tpu.yield
      }) : () -> ()
      %dma_start3A_58 = arith.constant 0 : i32
      %dma_start3A_59 = arith.constant 0 : i32
      %dma_start3A_60 = tpu.memref_slice %arg2[%dma_start3A_58, %dma_start3A_59] : memref<10000x128xf32, #tpu.memory_space<hbm>> -> memref<10000x128xf32, #tpu.memory_space<hbm>>
      tpu.enqueue_indirect_dma source(%dma_start3A_60 : memref<10000x128xf32, #tpu.memory_space<hbm>>) target(%arg7 : memref<400x128xf32, #tpu.memory_space<vmem>>) offsets(%arg5 : memref<400xi32, #tpu.memory_space<vmem>>) semaphore(%arg9 : memref<!tpu.dma_semaphore, #tpu.memory_space<semaphore_mem>>)
      %dma_wait3A_61 = arith.constant 0 : i32
      %dma_wait3A_62 = arith.constant 0 : i32
      %dma_wait3A_63 = tpu.memref_slice %arg2[%dma_wait3A_61, %dma_wait3A_62] : memref<10000x128xf32, #tpu.memory_space<hbm>> -> memref<10000x128xf32, #tpu.memory_space<hbm>>
      tpu.wait_indirect_dma semaphore(%arg10 : memref<!tpu.dma_semaphore, #tpu.memory_space<semaphore_mem>>) src(%dma_wait3A_63 : memref<10000x128xf32, #tpu.memory_space<hbm>>) dst(%arg8 : memref<400x128xf32, #tpu.memory_space<vmem>>)
      %add3A_64 = arith.constant 2000 : i32
      %add3A_65 = arith.addi %mul3A_4, %add3A_64 : i32
      "tpu.region"() ({
        %run_scoped3A = tpu.sem_alloc : memref<!tpu.dma_semaphore, #tpu.memory_space<semaphore_mem>>
        %dma_start3A_101 = arith.constant 0 : i32
        %dma_start3A_102 = tpu.memref_slice %arg4[%add3A_65, %dma_start3A_101] : memref<120000x128xf32, #tpu.memory_space<hbm>> -> memref<400x128xf32, #tpu.memory_space<hbm>>
        %dma_start3A_103 = arith.constant 0 : i32
        %dma_start3A_104 = tpu.memref_slice %arg4[%add3A_65, %dma_start3A_103] : memref<120000x128xf32, #tpu.memory_space<hbm>> -> memref<400x128xf32, #tpu.memory_space<hbm>>
        tpu.enqueue_dma source(%arg8 : memref<400x128xf32, #tpu.memory_space<vmem>>) target(%dma_start3A_104 : memref<400x128xf32, #tpu.memory_space<hbm>>) target_semaphore(%run_scoped3A : memref<!tpu.dma_semaphore, #tpu.memory_space<semaphore_mem>>)
        %dma_wait3A_105 = arith.constant 0 : i32
        %dma_wait3A_106 = tpu.memref_slice %arg4[%add3A_65, %dma_wait3A_105] : memref<120000x128xf32, #tpu.memory_space<hbm>> -> memref<400x128xf32, #tpu.memory_space<hbm>>
        %dma_wait3A_107 = arith.constant 0 : i32
        %dma_wait3A_108 = tpu.memref_slice %arg4[%add3A_65, %dma_wait3A_107] : memref<120000x128xf32, #tpu.memory_space<hbm>> -> memref<400x128xf32, #tpu.memory_space<hbm>>
        tpu.wait_dma2 semaphore(%run_scoped3A : memref<!tpu.dma_semaphore, #tpu.memory_space<semaphore_mem>>) src(%arg8 : memref<400x128xf32, #tpu.memory_space<vmem>>) dst(%dma_wait3A_108 : memref<400x128xf32, #tpu.memory_space<hbm>>)
        tpu.yield
      }) : () -> ()
      %add3A_66 = arith.constant 2800 : i32
      %add3A_67 = arith.addi %mul3A_4, %add3A_66 : i32
      "tpu.region"() ({
        %run_scoped3A = tpu.sem_alloc : memref<!tpu.dma_semaphore, #tpu.memory_space<semaphore_mem>>
        %dma_start3A_101 = tpu.memref_slice %arg3[%add3A_67] : memref<120000xi32, #tpu.memory_space<hbm>> -> memref<400xi32, #tpu.memory_space<hbm>>
        %dma_start3A_102 = tpu.memref_slice %arg3[%add3A_67] : memref<120000xi32, #tpu.memory_space<hbm>> -> memref<400xi32, #tpu.memory_space<hbm>>
        tpu.enqueue_dma source(%dma_start3A_102 : memref<400xi32, #tpu.memory_space<hbm>>) target(%arg6 : memref<400xi32, #tpu.memory_space<vmem>>) target_semaphore(%run_scoped3A : memref<!tpu.dma_semaphore, #tpu.memory_space<semaphore_mem>>)
        %dma_wait3A_103 = tpu.memref_slice %arg3[%add3A_67] : memref<120000xi32, #tpu.memory_space<hbm>> -> memref<400xi32, #tpu.memory_space<hbm>>
        %dma_wait3A_104 = tpu.memref_slice %arg3[%add3A_67] : memref<120000xi32, #tpu.memory_space<hbm>> -> memref<400xi32, #tpu.memory_space<hbm>>
        tpu.wait_dma2 semaphore(%run_scoped3A : memref<!tpu.dma_semaphore, #tpu.memory_space<semaphore_mem>>) src(%dma_wait3A_104 : memref<400xi32, #tpu.memory_space<hbm>>) dst(%arg6 : memref<400xi32, #tpu.memory_space<vmem>>)
        tpu.yield
      }) : () -> ()
      %dma_start3A_68 = arith.constant 0 : i32
      %dma_start3A_69 = arith.constant 0 : i32
      %dma_start3A_70 = tpu.memref_slice %arg2[%dma_start3A_68, %dma_start3A_69] : memref<10000x128xf32, #tpu.memory_space<hbm>> -> memref<10000x128xf32, #tpu.memory_space<hbm>>
      tpu.enqueue_indirect_dma source(%dma_start3A_70 : memref<10000x128xf32, #tpu.memory_space<hbm>>) target(%arg8 : memref<400x128xf32, #tpu.memory_space<vmem>>) offsets(%arg6 : memref<400xi32, #tpu.memory_space<vmem>>) semaphore(%arg10 : memref<!tpu.dma_semaphore, #tpu.memory_space<semaphore_mem>>)
      %dma_wait3A_71 = arith.constant 0 : i32
      %dma_wait3A_72 = arith.constant 0 : i32
      %dma_wait3A_73 = tpu.memref_slice %arg2[%dma_wait3A_71, %dma_wait3A_72] : memref<10000x128xf32, #tpu.memory_space<hbm>> -> memref<10000x128xf32, #tpu.memory_space<hbm>>
      tpu.wait_indirect_dma semaphore(%arg9 : memref<!tpu.dma_semaphore, #tpu.memory_space<semaphore_mem>>) src(%dma_wait3A_73 : memref<10000x128xf32, #tpu.memory_space<hbm>>) dst(%arg7 : memref<400x128xf32, #tpu.memory_space<vmem>>)
      %add3A_74 = arith.constant 2400 : i32
      %add3A_75 = arith.addi %mul3A_4, %add3A_74 : i32
      "tpu.region"() ({
        %run_scoped3A = tpu.sem_alloc : memref<!tpu.dma_semaphore, #tpu.memory_space<semaphore_mem>>
        %dma_start3A_101 = arith.constant 0 : i32
        %dma_start3A_102 = tpu.memref_slice %arg4[%add3A_75, %dma_start3A_101] : memref<120000x128xf32, #tpu.memory_space<hbm>> -> memref<400x128xf32, #tpu.memory_space<hbm>>
        %dma_start3A_103 = arith.constant 0 : i32
        %dma_start3A_104 = tpu.memref_slice %arg4[%add3A_75, %dma_start3A_103] : memref<120000x128xf32, #tpu.memory_space<hbm>> -> memref<400x128xf32, #tpu.memory_space<hbm>>
        tpu.enqueue_dma source(%arg7 : memref<400x128xf32, #tpu.memory_space<vmem>>) target(%dma_start3A_104 : memref<400x128xf32, #tpu.memory_space<hbm>>) target_semaphore(%run_scoped3A : memref<!tpu.dma_semaphore, #tpu.memory_space<semaphore_mem>>)
        %dma_wait3A_105 = arith.constant 0 : i32
        %dma_wait3A_106 = tpu.memref_slice %arg4[%add3A_75, %dma_wait3A_105] : memref<120000x128xf32, #tpu.memory_space<hbm>> -> memref<400x128xf32, #tpu.memory_space<hbm>>
        %dma_wait3A_107 = arith.constant 0 : i32
        %dma_wait3A_108 = tpu.memref_slice %arg4[%add3A_75, %dma_wait3A_107] : memref<120000x128xf32, #tpu.memory_space<hbm>> -> memref<400x128xf32, #tpu.memory_space<hbm>>
        tpu.wait_dma2 semaphore(%run_scoped3A : memref<!tpu.dma_semaphore, #tpu.memory_space<semaphore_mem>>) src(%arg7 : memref<400x128xf32, #tpu.memory_space<vmem>>) dst(%dma_wait3A_108 : memref<400x128xf32, #tpu.memory_space<hbm>>)
        tpu.yield
      }) : () -> ()
      %add3A_76 = arith.constant 3200 : i32
      %add3A_77 = arith.addi %mul3A_4, %add3A_76 : i32
      "tpu.region"() ({
        %run_scoped3A = tpu.sem_alloc : memref<!tpu.dma_semaphore, #tpu.memory_space<semaphore_mem>>
        %dma_start3A_101 = tpu.memref_slice %arg3[%add3A_77] : memref<120000xi32, #tpu.memory_space<hbm>> -> memref<400xi32, #tpu.memory_space<hbm>>
        %dma_start3A_102 = tpu.memref_slice %arg3[%add3A_77] : memref<120000xi32, #tpu.memory_space<hbm>> -> memref<400xi32, #tpu.memory_space<hbm>>
        tpu.enqueue_dma source(%dma_start3A_102 : memref<400xi32, #tpu.memory_space<hbm>>) target(%arg5 : memref<400xi32, #tpu.memory_space<vmem>>) target_semaphore(%run_scoped3A : memref<!tpu.dma_semaphore, #tpu.memory_space<semaphore_mem>>)
        %dma_wait3A_103 = tpu.memref_slice %arg3[%add3A_77] : memref<120000xi32, #tpu.memory_space<hbm>> -> memref<400xi32, #tpu.memory_space<hbm>>
        %dma_wait3A_104 = tpu.memref_slice %arg3[%add3A_77] : memref<120000xi32, #tpu.memory_space<hbm>> -> memref<400xi32, #tpu.memory_space<hbm>>
        tpu.wait_dma2 semaphore(%run_scoped3A : memref<!tpu.dma_semaphore, #tpu.memory_space<semaphore_mem>>) src(%dma_wait3A_104 : memref<400xi32, #tpu.memory_space<hbm>>) dst(%arg5 : memref<400xi32, #tpu.memory_space<vmem>>)
        tpu.yield
      }) : () -> ()
      %dma_start3A_78 = arith.constant 0 : i32
      %dma_start3A_79 = arith.constant 0 : i32
      %dma_start3A_80 = tpu.memref_slice %arg2[%dma_start3A_78, %dma_start3A_79] : memref<10000x128xf32, #tpu.memory_space<hbm>> -> memref<10000x128xf32, #tpu.memory_space<hbm>>
      tpu.enqueue_indirect_dma source(%dma_start3A_80 : memref<10000x128xf32, #tpu.memory_space<hbm>>) target(%arg7 : memref<400x128xf32, #tpu.memory_space<vmem>>) offsets(%arg5 : memref<400xi32, #tpu.memory_space<vmem>>) semaphore(%arg9 : memref<!tpu.dma_semaphore, #tpu.memory_space<semaphore_mem>>)
      %dma_wait3A_81 = arith.constant 0 : i32
      %dma_wait3A_82 = arith.constant 0 : i32
      %dma_wait3A_83 = tpu.memref_slice %arg2[%dma_wait3A_81, %dma_wait3A_82] : memref<10000x128xf32, #tpu.memory_space<hbm>> -> memref<10000x128xf32, #tpu.memory_space<hbm>>
      tpu.wait_indirect_dma semaphore(%arg10 : memref<!tpu.dma_semaphore, #tpu.memory_space<semaphore_mem>>) src(%dma_wait3A_83 : memref<10000x128xf32, #tpu.memory_space<hbm>>) dst(%arg8 : memref<400x128xf32, #tpu.memory_space<vmem>>)
      %add3A_84 = arith.constant 2800 : i32
      %add3A_85 = arith.addi %mul3A_4, %add3A_84 : i32
      "tpu.region"() ({
        %run_scoped3A = tpu.sem_alloc : memref<!tpu.dma_semaphore, #tpu.memory_space<semaphore_mem>>
        %dma_start3A_101 = arith.constant 0 : i32
        %dma_start3A_102 = tpu.memref_slice %arg4[%add3A_85, %dma_start3A_101] : memref<120000x128xf32, #tpu.memory_space<hbm>> -> memref<400x128xf32, #tpu.memory_space<hbm>>
        %dma_start3A_103 = arith.constant 0 : i32
        %dma_start3A_104 = tpu.memref_slice %arg4[%add3A_85, %dma_start3A_103] : memref<120000x128xf32, #tpu.memory_space<hbm>> -> memref<400x128xf32, #tpu.memory_space<hbm>>
        tpu.enqueue_dma source(%arg8 : memref<400x128xf32, #tpu.memory_space<vmem>>) target(%dma_start3A_104 : memref<400x128xf32, #tpu.memory_space<hbm>>) target_semaphore(%run_scoped3A : memref<!tpu.dma_semaphore, #tpu.memory_space<semaphore_mem>>)
        %dma_wait3A_105 = arith.constant 0 : i32
        %dma_wait3A_106 = tpu.memref_slice %arg4[%add3A_85, %dma_wait3A_105] : memref<120000x128xf32, #tpu.memory_space<hbm>> -> memref<400x128xf32, #tpu.memory_space<hbm>>
        %dma_wait3A_107 = arith.constant 0 : i32
        %dma_wait3A_108 = tpu.memref_slice %arg4[%add3A_85, %dma_wait3A_107] : memref<120000x128xf32, #tpu.memory_space<hbm>> -> memref<400x128xf32, #tpu.memory_space<hbm>>
        tpu.wait_dma2 semaphore(%run_scoped3A : memref<!tpu.dma_semaphore, #tpu.memory_space<semaphore_mem>>) src(%arg8 : memref<400x128xf32, #tpu.memory_space<vmem>>) dst(%dma_wait3A_108 : memref<400x128xf32, #tpu.memory_space<hbm>>)
        tpu.yield
      }) : () -> ()
      %add3A_86 = arith.constant 3600 : i32
      %add3A_87 = arith.addi %mul3A_4, %add3A_86 : i32
      "tpu.region"() ({
        %run_scoped3A = tpu.sem_alloc : memref<!tpu.dma_semaphore, #tpu.memory_space<semaphore_mem>>
        %dma_start3A_101 = tpu.memref_slice %arg3[%add3A_87] : memref<120000xi32, #tpu.memory_space<hbm>> -> memref<400xi32, #tpu.memory_space<hbm>>
        %dma_start3A_102 = tpu.memref_slice %arg3[%add3A_87] : memref<120000xi32, #tpu.memory_space<hbm>> -> memref<400xi32, #tpu.memory_space<hbm>>
        tpu.enqueue_dma source(%dma_start3A_102 : memref<400xi32, #tpu.memory_space<hbm>>) target(%arg6 : memref<400xi32, #tpu.memory_space<vmem>>) target_semaphore(%run_scoped3A : memref<!tpu.dma_semaphore, #tpu.memory_space<semaphore_mem>>)
        %dma_wait3A_103 = tpu.memref_slice %arg3[%add3A_87] : memref<120000xi32, #tpu.memory_space<hbm>> -> memref<400xi32, #tpu.memory_space<hbm>>
        %dma_wait3A_104 = tpu.memref_slice %arg3[%add3A_87] : memref<120000xi32, #tpu.memory_space<hbm>> -> memref<400xi32, #tpu.memory_space<hbm>>
        tpu.wait_dma2 semaphore(%run_scoped3A : memref<!tpu.dma_semaphore, #tpu.memory_space<semaphore_mem>>) src(%dma_wait3A_104 : memref<400xi32, #tpu.memory_space<hbm>>) dst(%arg6 : memref<400xi32, #tpu.memory_space<vmem>>)
        tpu.yield
      }) : () -> ()
      %dma_start3A_88 = arith.constant 0 : i32
      %dma_start3A_89 = arith.constant 0 : i32
      %dma_start3A_90 = tpu.memref_slice %arg2[%dma_start3A_88, %dma_start3A_89] : memref<10000x128xf32, #tpu.memory_space<hbm>> -> memref<10000x128xf32, #tpu.memory_space<hbm>>
      tpu.enqueue_indirect_dma source(%dma_start3A_90 : memref<10000x128xf32, #tpu.memory_space<hbm>>) target(%arg8 : memref<400x128xf32, #tpu.memory_space<vmem>>) offsets(%arg6 : memref<400xi32, #tpu.memory_space<vmem>>) semaphore(%arg10 : memref<!tpu.dma_semaphore, #tpu.memory_space<semaphore_mem>>)
      %dma_wait3A_91 = arith.constant 0 : i32
      %dma_wait3A_92 = arith.constant 0 : i32
      %dma_wait3A_93 = tpu.memref_slice %arg2[%dma_wait3A_91, %dma_wait3A_92] : memref<10000x128xf32, #tpu.memory_space<hbm>> -> memref<10000x128xf32, #tpu.memory_space<hbm>>
      tpu.wait_indirect_dma semaphore(%arg9 : memref<!tpu.dma_semaphore, #tpu.memory_space<semaphore_mem>>) src(%dma_wait3A_93 : memref<10000x128xf32, #tpu.memory_space<hbm>>) dst(%arg7 : memref<400x128xf32, #tpu.memory_space<vmem>>)
      %add3A_94 = arith.constant 3200 : i32
      %add3A_95 = arith.addi %mul3A_4, %add3A_94 : i32
      "tpu.region"() ({
        %run_scoped3A = tpu.sem_alloc : memref<!tpu.dma_semaphore, #tpu.memory_space<semaphore_mem>>
        %dma_start3A_101 = arith.constant 0 : i32
        %dma_start3A_102 = tpu.memref_slice %arg4[%add3A_95, %dma_start3A_101] : memref<120000x128xf32, #tpu.memory_space<hbm>> -> memref<400x128xf32, #tpu.memory_space<hbm>>
        %dma_start3A_103 = arith.constant 0 : i32
        %dma_start3A_104 = tpu.memref_slice %arg4[%add3A_95, %dma_start3A_103] : memref<120000x128xf32, #tpu.memory_space<hbm>> -> memref<400x128xf32, #tpu.memory_space<hbm>>
        tpu.enqueue_dma source(%arg7 : memref<400x128xf32, #tpu.memory_space<vmem>>) target(%dma_start3A_104 : memref<400x128xf32, #tpu.memory_space<hbm>>) target_semaphore(%run_scoped3A : memref<!tpu.dma_semaphore, #tpu.memory_space<semaphore_mem>>)
        %dma_wait3A_105 = arith.constant 0 : i32
        %dma_wait3A_106 = tpu.memref_slice %arg4[%add3A_95, %dma_wait3A_105] : memref<120000x128xf32, #tpu.memory_space<hbm>> -> memref<400x128xf32, #tpu.memory_space<hbm>>
        %dma_wait3A_107 = arith.constant 0 : i32
        %dma_wait3A_108 = tpu.memref_slice %arg4[%add3A_95, %dma_wait3A_107] : memref<120000x128xf32, #tpu.memory_space<hbm>> -> memref<400x128xf32, #tpu.memory_space<hbm>>
        tpu.wait_dma2 semaphore(%run_scoped3A : memref<!tpu.dma_semaphore, #tpu.memory_space<semaphore_mem>>) src(%arg7 : memref<400x128xf32, #tpu.memory_space<vmem>>) dst(%dma_wait3A_108 : memref<400x128xf32, #tpu.memory_space<hbm>>)
        tpu.yield
      }) : () -> ()
      %dma_wait3A_96 = arith.constant 0 : i32
      %dma_wait3A_97 = arith.constant 0 : i32
      %dma_wait3A_98 = tpu.memref_slice %arg2[%dma_wait3A_96, %dma_wait3A_97] : memref<10000x128xf32, #tpu.memory_space<hbm>> -> memref<10000x128xf32, #tpu.memory_space<hbm>>
      tpu.wait_indirect_dma semaphore(%arg10 : memref<!tpu.dma_semaphore, #tpu.memory_space<semaphore_mem>>) src(%dma_wait3A_98 : memref<10000x128xf32, #tpu.memory_space<hbm>>) dst(%arg8 : memref<400x128xf32, #tpu.memory_space<vmem>>)
      %add3A_99 = arith.constant 3600 : i32
      %add3A_100 = arith.addi %mul3A_4, %add3A_99 : i32
      "tpu.region"() ({
        %run_scoped3A = tpu.sem_alloc : memref<!tpu.dma_semaphore, #tpu.memory_space<semaphore_mem>>
        %dma_start3A_101 = arith.constant 0 : i32
        %dma_start3A_102 = tpu.memref_slice %arg4[%add3A_100, %dma_start3A_101] : memref<120000x128xf32, #tpu.memory_space<hbm>> -> memref<400x128xf32, #tpu.memory_space<hbm>>
        %dma_start3A_103 = arith.constant 0 : i32
        %dma_start3A_104 = tpu.memref_slice %arg4[%add3A_100, %dma_start3A_103] : memref<120000x128xf32, #tpu.memory_space<hbm>> -> memref<400x128xf32, #tpu.memory_space<hbm>>
        tpu.enqueue_dma source(%arg8 : memref<400x128xf32, #tpu.memory_space<vmem>>) target(%dma_start3A_104 : memref<400x128xf32, #tpu.memory_space<hbm>>) target_semaphore(%run_scoped3A : memref<!tpu.dma_semaphore, #tpu.memory_space<semaphore_mem>>)
        %dma_wait3A_105 = arith.constant 0 : i32
        %dma_wait3A_106 = tpu.memref_slice %arg4[%add3A_100, %dma_wait3A_105] : memref<120000x128xf32, #tpu.memory_space<hbm>> -> memref<400x128xf32, #tpu.memory_space<hbm>>
        %dma_wait3A_107 = arith.constant 0 : i32
        %dma_wait3A_108 = tpu.memref_slice %arg4[%add3A_100, %dma_wait3A_107] : memref<120000x128xf32, #tpu.memory_space<hbm>> -> memref<400x128xf32, #tpu.memory_space<hbm>>
        tpu.wait_dma2 semaphore(%run_scoped3A : memref<!tpu.dma_semaphore, #tpu.memory_space<semaphore_mem>>) src(%arg8 : memref<400x128xf32, #tpu.memory_space<vmem>>) dst(%dma_wait3A_108 : memref<400x128xf32, #tpu.memory_space<hbm>>)
        tpu.yield
      }) : () -> ()
    } else {
    }
    return
  }
}

</mosaic_0001>

<sc_bundles>
// kernel: _sc_gather.3.cloned.1.call-start
scs
__scs_entry_jumppad:
0x0: {  	(pc) =	sbr.rel $0x88, $3  }
0x1: {  	(tag) =	ssettag $0x0;
	lr =	simm.s32 $0x1  }
0x2: {  	[smem:$0x3F9F] =	sst lr;
	_ =	strace $0xD0000000  }
0x3: {  	_ = 	snop  }
0x4: {  	_ = 	snop  }
0x5: {  	_ = 	snop  }
0x6: {  	_ = 	snop  }
0x7: {  	_ = 	snop  }
__scs_overlays_trampoline_lowered:
0x8: {  	[smem:$0x3FAE] =	sst s0  }
0x9: {  	[smem:$0x3FAF] =	sst s1  }
0xa: {  	[smem:$0x3FB0] =	sst s2  }
0xb: {  	[smem:$0x3FB1] =	sst s3  }
0xc: {  	[smem:$0x3FB2] =	sst s4  }
0xd: {  	[smem:$0x3FB3] =	sst s5  }
0xe: {  	[smem:$0x3FB4] =	sst s6  }
0xf: {  	[smem:$0x3FB5] =	sst s7  }
0x10: {  	[smem:$0x3FB6] =	sst s8  }
0x11: {  	[smem:$0x3FB7] =	sst s9;
	s0 =	simm.s32 @!p0 $0x0  }
0x12: {  	s1 =	sld [smem:$0x3F9D];
	s0 =	simm.s32 @p0 $0x1  }
0x13: {  	[smem:$0x3FB8] =	sst s0;
	s0 =	simm.s32 @!p1 $0x0  }
0x14: {  	s2 =	sld [smem:$0x3F9C];
	s0 =	simm.s32 @p1 $0x1  }
0x15: {  	[smem:$0x3FB9] =	sst s0;
	s0 =	simm.s32 @!p2 $0x0  }
0x16: {  	s3 =	sld [smem:$0x3FDB];
	s0 =	simm.s32 @p2 $0x1  }
0x17: {  	s4 =	simm.s32 $0x1BF5;
	[smem:$0x3FBB] =	sst s0  }
0x18: {  	s0 =	sld [smem:$0x3F9E];
	_ =	swait.ge [sflag:s4], $0x0  }
0x19: {  	s7 =	sld [smem:$0x3F9F]  }
0x1a: {  	s8 =	sadd.s32 $0xFFFFE003, lr  }
0x1b: {  	s9 =	sadd.s32 $0xFFFFFEF7, lr;
	s5 =	simm.s32 $0xFFFFFFFF;
	p2 =	slt.u32 s8, $0xFFFFF086  }
0x1c: {  	p1 =	slt.u32 s9, $0xF7A;
	s5 =	simm.s32 @!p2 $0x0  }
0x1d: {  	s5 =	simm.s32 @p1 $0x1;
	p0 =	seq.s32 s7, s2  }
0x1e: {  	s7 =	smul.u32 @!p0 $0xF7A, s2;
	p2 =	seq.s32 @!p0 s5, $0x0  }
0x1f: {  	s9 =	smul.u32 $0xF7A, s1;
	s8 =	simm.s32 @!p0 $0x1BF5;
	p2 =	por !p2, p0  }
0x20: {  	[sflag:s8] =	ssyncset.s32 @!p0 $0xFFFFF086;
	s6 =	sadd.s32 @!p0 s3, s7;
	s7 =	simm.s32 @!p0 $0x108  }
0x21: {  	s3 =	sadd.s32 s3, s9;
	s6 =	sadd.s32 @!p0 $0x88, s6;
	s7 =	simm.s32 @p2 $0x1082  }
0x22: {  	[simem:s7], [sflag:s8] =	dma.local @!p0 [hbm:s6], $0xF7A  }
0x23: {  	s9 =	sor.u32 $0xD0000000, s2;
	s6 =	simm.s32 $0x108;
	_ =	swait.ge @!p0 [sflag:s8], $0x0  }
0x24: {  	s3 =	sadd.s32 $0x88, s3;
	s6 =	simm.s32 @!p1 $0x1082;
	[sflag:s4] =	ssyncset.s32 $0xFFFFF086  }
0x25: {  	[simem:s6], [sflag:s4] =	dma.local [hbm:s3], $0xF7A  }
0x26: {  	[smem:$0x3F9F] =	sst s1;
	(tag) =	ssettag s2;
	_ =	strace s9  }
0x27: {  	s1 =	sld [smem:$0x3FAF]  }
0x28: {  	s2 =	sld [smem:$0x3FB0]  }
0x29: {  	s4 =	sld [smem:$0x3FB2]  }
0x2a: {  	p0 =	seq.s32 s5, $0x0;
	s5 =	sld [smem:$0x3FB3]  }
0x2b: {  	s6 =	sld [smem:$0x3FB4]  }
0x2c: {  	s7 =	sld [smem:$0x3FB5]  }
0x2d: {  	s3 =	simm.s32 $0x108;
	s8 =	sld [smem:$0x3FB6]  }
0x2e: {  	s3 =	simm.s32 @!p0 $0x1082;
	s9 =	sld [smem:$0x3FB7]  }
0x2f: {  	lr =	sadd.s32 s0, s3;
	s0 =	sld [smem:$0x3FAE]  }
0x30: {  	s3 =	sld [smem:$0x3FB1]  }
0x31: {  	[smem:$0x3FBA] =	sst s10  }
0x32: {  	s10 =	sld [smem:$0x3FB8];
	_ =	sdelay $0x3  }
0x33: {  	p0 =	seq.s32 s10, $0x1;
	s10 =	sld [smem:$0x3FBA];
	_ =	sdelay $0x3  }
0x34: {  	[smem:$0x3FBA] =	sst s10  }
0x35: {  	s10 =	sld [smem:$0x3FB9];
	_ =	sdelay $0x3  }
0x36: {  	p1 =	seq.s32 s10, $0x1;
	s10 =	sld [smem:$0x3FBA];
	_ =	sdelay $0x3  }
0x37: {  	[smem:$0x3FBA] =	sst s10  }
0x38: {  	s10 =	sld [smem:$0x3FBB]  }
0x39: {  	_ = 	snop;
	(pc) =	sbr.ind lr, $3  }
0x3a: {  	_ = 	snop  }
0x3b: {  	_ = 	snop  }
0x3c: {  	p2 =	seq.s32 s10, $0x1;
	s10 =	sld [smem:$0x3FBA]  }
0x3d: {  	_ =	shalt  }
0x3e: {  	_ =	shalt  }
0x3f: {  	_ =	shalt  }
0x40: {  	_ =	shalt  }
0x41: {  	_ =	shalt  }
0x42: {  	_ =	shalt  }
0x43: {  	_ =	shalt  }
0x44: {  	_ =	shalt  }
0x45: {  	_ =	shalt  }
0x46: {  	_ =	shalt  }
0x47: {  	_ =	shalt  }
0x48: {  	_ =	shalt  }
0x49: {  	_ =	shalt  }
0x4a: {  	_ =	shalt  }
0x4b: {  	_ =	shalt  }
0x4c: {  	_ =	shalt  }
0x4d: {  	_ =	shalt  }
0x4e: {  	_ =	shalt  }
0x4f: {  	_ =	shalt  }
0x50: {  	_ =	shalt  }
0x51: {  	_ =	shalt  }
0x52: {  	_ =	shalt  }
0x53: {  	_ =	shalt  }
0x54: {  	_ =	shalt  }
0x55: {  	_ =	shalt  }
0x56: {  	_ =	shalt  }
0x57: {  	_ =	shalt  }
0x58: {  	_ =	shalt  }
0x59: {  	_ =	shalt  }
0x5a: {  	_ =	shalt  }
0x5b: {  	_ =	shalt  }
0x5c: {  	_ =	shalt  }
0x5d: {  	_ =	shalt  }
0x5e: {  	_ =	shalt  }
0x5f: {  	_ =	shalt  }
0x60: {  	_ =	shalt  }
0x61: {  	_ =	shalt  }
0x62: {  	_ =	shalt  }
0x63: {  	_ =	shalt  }
0x64: {  	_ =	shalt  }
0x65: {  	_ =	shalt  }
0x66: {  	_ =	shalt  }
0x67: {  	_ =	shalt  }
0x68: {  	_ =	shalt  }
0x69: {  	_ =	shalt  }
0x6a: {  	_ =	shalt  }
0x6b: {  	_ =	shalt  }
0x6c: {  	_ =	shalt  }
0x6d: {  	_ =	shalt  }
0x6e: {  	_ =	shalt  }
0x6f: {  	_ =	shalt  }
0x70: {  	_ =	shalt  }
0x71: {  	_ =	shalt  }
0x72: {  	_ =	shalt  }
0x73: {  	_ =	shalt  }
0x74: {  	_ =	shalt  }
0x75: {  	_ =	shalt  }
0x76: {  	_ =	shalt  }
0x77: {  	_ =	shalt  }
0x78: {  	_ =	shalt  }
0x79: {  	_ =	shalt  }
0x7a: {  	_ =	shalt  }
0x7b: {  	_ =	shalt  }
0x7c: {  	_ =	shalt  }
0x7d: {  	_ =	shalt  }
0x7e: {  	_ =	shalt  }
0x7f: {  	_ =	shalt  }
0x80: {  	_ =	shalt  }
0x81: {  	_ =	shalt  }
0x82: {  	_ =	shalt  }
0x83: {  	_ =	shalt  }
0x84: {  	_ =	shalt  }
0x85: {  	_ =	shalt  }
0x86: {  	_ =	shalt  }
0x87: {  	_ =	shalt  }
.Lfunc_end0:
.L_simem_size_0:
called_computation_lowered:
.L_overlay_start_0:
0x88: {  	s2 =	sld [smem:$0x3FD9]  }
0x89: {  	s3 =	sld [smem:$0x3FFE];
	_ =	sdelay $0x1  }
0x8a: {  	s1 =	srdreg.scid  }
0x8b: {  	s0 =	sand.u32 $0x1, s1  }
0x8c: {  	s18 =	sshll.u32 s0, $0xA;
	s2 =	sadd.s32 s3, s2  }
0x8d: {  	s2 =	sadd.s32 s2, s18  }
0x8e: {  	[smem:$0x3FC6] =	sst s2  }
0x8f: {  	_ = 	snop  }
0x90: {  	s2 =	sld [smem:$0x3FC9]  }
0x91: {  	s19 =	sld [smem:$0x3FC8]  }
0x92: {  	s4 =	sld [smem:$0x3FD0];
	(tm) =	ssettm $0x1  }
0x93: {  	s5 =	sld [smem:$0x3FFB];
	_ =	sdelay $0x3  }
0x94: {  	_ =	strace s5  }
0x95: {  	s5 =	sld [smem:$0x3FFC];
	_ =	sdelay $0x3  }
0x96: {  	_ =	strace s5  }
0x97: {  	s5 =	sld [smem:$0x3FFD];
	_ =	sdelay $0x3  }
0x98: {  	_ =	strace s5  }
0x99: {  	_ =	strace $0x8FFFFFFF  }
0x9a: {  	s20 =	sld [smem:$0x3FDB];
	_ =	sdelay $0x1  }
0x9b: {  	s6 =	simm.s32 $_scs_section_size  }
0x9c: {  	s7 =	simm.s32 $_size__tile_overlayer_lowered;
	s8 =	simm.s32 $_tile_overlayer_lowered  }
0x9d: {  	s23 =	simm.s32 $0x1BFF;
	s22 =	sshll.u32 s8, $0x1;
	s5 =	sadd.s32 s6, s20  }
0x9e: {  	s9 =	simm.s32 $0x0;
	s21 =	sshll.u32 s7, $0x1;
	s7 =	sadd.s32 s22, s5  }
0x9f: {  	[timem:s9], [sflag:s23] =	dma.local [hbm:s7], s21  }
0xa0: {  	_ =	swait.ge [sflag:s23], s21  }
0xa1: {  	s6 =	ssub.s32 $0x0, s21;
	[sflag:s23] =	ssyncset.done $0x0  }
0xa2: {  	[sflag:s23] =	ssyncadd.s32 s6;
	_ =	sdelay $0x1  }
0xa3: {  	s24 =	simm.s32 $0x1B8B  }
0xa4: {  	_ =	swait.ge [sflag:s24], $0x1  }
0xa5: {  	[sflag:s24] =	ssyncset.done $0x0  }
0xa6: {  	s25 =	simm.s32 $0x1B8E;
	[sflag:s24] =	ssyncadd.s32 $0xFFFFFFFF  }
0xa7: {  	s26 =	simm.s32 $execute0_lowered;
	[smem:$0x3FD2] =	sst s25  }
0xa8: {  	s6 =	sshll.u32 s26, $0x1;
	_ =	strace $0x80000046;
	[dreg:$0x1] =	wrdreg $0xFFFFFFFF  }
0xa9: {  	s28 =	simm.s32 $_size_execute0_lowered;
	s5 =	sadd.s32 s5, s6;
	[dreg:$0x0] =	wrdreg $0x0  }
0xaa: {  	s6 =	sshll.u32 s28, $0x1;
	[dreg:$0x2] =	wrdreg s5  }
0xab: {  	[dreg:$0x3] =	wrdreg s6  }
0xac: {  	[dreg:$0x4] =	wrdreg $0xC0  }
0xad: {  	_ =	task [dreg:s9], $0x5FFFF  }
0xae: {  	[dreg:$0x1] =	wrdreg $0xFFFFFFFF  }
0xaf: {  	[dreg:$0x0] =	wrdreg $0x60  }
0xb0: {  	[dreg:$0x2] =	wrdreg s2  }
0xb1: {  	[dreg:$0x3] =	wrdreg s19  }
0xb2: {  	[dreg:$0x4] =	wrdreg s4  }
0xb3: {  	[dreg:$0x5] =	wrdreg $0x9  }
0xb4: {  	_ =	task.clear_ibuf [dreg:s9], $0x6FFFF;
	_ =	strace $0x90000046  }
0xb5: {  	s29 =	simm.s32 $0x9;
	_ =	strace $0x80000048  }
0xb6: {  	_ =	swait.ge [sflag:s29], $0x1  }
0xb7: {  	[sflag:s29] =	ssyncadd.s32 $0xFFFFFFFF  }
0xb8: {  	_ =	strace $0x90000048  }
0xb9: {  	_ =	sfence  }
0xba: {  	s30 =	sld [smem:$0x0];
	_ =	sdelay $0x2  }
0xbb: {  	s31 =	sshll.u32 s1, $0xD;
	s1 =	sshrl.u32 s1, $0x2  }
0xbc: {  	s3 =	sand.u32 $0x4000, s31;
	s1 =	sadd.s32 s1, s30  }
0xbd: {  	s0 =	sor.u32 s3, s0;
	s1 =	sshll.u32 s1, $0x11  }
0xbe: {  	s0 =	sor.u32 s1, s0  }
0xbf: {  	s0 =	sadd.s32 $0x8F2B, s0  }
0xc0: {  	[sflag:s0] =	ssyncadd.remote.s32 $0x1  }
0xc1: {  	_ =	sfence.sel $0xFFFF  }
0xc2: {  	[dreg:$0x0] =	wrdreg $0xFFFFFFFF;
	(pc) =	sbr.abs _section_cstart, $3  }
0xc3: {  	[dreg:$0x1] =	wrdreg $0xFFFFFFFF  }
0xc4: {  	_ =	task.clear_ibuf [dreg:s9], $0x2FFFF;
	_ =	strace $0x9FFFFFFF  }
0xc5: {  	(tm) =	ssettm $0x7FFFFFFF  }
tec
execute0_lowered:
.L_overlay_start_1:
0x0: {  	(tag) =	ssettag $0x1  }
0x1: {  	s1 =	stileid.u32  }
0x2: {  	p0 =	seq.s32 s1, $0xF  }
.Ltmp0:
0x3: {  	s2 =	rddreg [dreg:$0x0];
	(pc) =	sbr.rel @p0 .LBB2_4-.Ltmp0, $4  }
0x4: {  	s28 =	rddreg [dreg:$0x1]  }
0x5: {  	s30 =	rddreg [dreg:$0x2];
	s3 =	simm.s32 $0x0  }
0x6: {  	[smem:$0x7FF] =	sst s3  }
0x7: {  	s0 =	rddreg [dreg:$0x3];
	_ =	strace $0x80000047  }
0x8: {  	s4 =	srdreg.scid  }
0x9: {  	s25 =	sshll.u32 s1, $0x1;
	s31 =	sand.u32 $0x1, s4  }
0xa: {  	s11 =	sor.u32 s31, s25  }
0xb: {  	s29 =	smul.u32 $0xFA0, s11;
	_ =	sdelay $0x1  }
0xc: {  	s14 =	sadd.s32 $0x190, s29  }
0xd: {  	s5 =	sshrl.u32 s29, $0x3;
	s26 =	sshrl.u32 s14, $0x3  }
0xe: {  	s5 =	sadd.s32 s28, s5;
	s4 =	sadd.s32 s28, s26  }
0xf: {  	[tilespmem:s3], [sflag:$0x3] =	stream.linear.gather [hbm4b:s5+s3], $0x190, $0x38;
	[tilespmem:$0x19400] =	vst v63  }
0x10: {  	[dreg:$0x4] =	wrdreg s4;
	s4 =	simm.s32 $0x3  }
0x11: {  	_ =	swait.ge [sflag:s4], $0x190  }
0x12: {  	[sflag:s4] =	ssyncset.done $0x0  }
0x13: {  	s6 =	simm.s32 $0x190;
	s7 =	simm.s32 $0x400;
	[sflag:s4] =	ssyncadd.s32 $0xFFFFFE70  }
0x14: {  	[tilespmem:s7], [sflag:$0x1] =	stream.indirect.gather [hbm4b:s2+s6], $0x80, s3, s6, $0xb8;
	[tilespmem:$0x19400] =	vst v63  }
0x15: {  	s8 =	simm.s32 $0x200;
	s9 =	rddreg [dreg:$0x4]  }
0x16: {  	[tilespmem:s8], [sflag:$0x3] =	stream.linear.gather [hbm4b:s9+s3], $0x190, $0x38;
	[tilespmem:$0x19400] =	vst v63  }
0x17: {  	_ =	swait.ge [sflag:s4], $0x190  }
0x18: {  	[sflag:s4] =	ssyncset.done $0x0  }
0x19: {  	s10 =	simm.s32 $0x1;
	s9 =	simm.s32 $0xCC00;
	[sflag:s4] =	ssyncadd.s32 $0xFFFFFE70  }
0x1a: {  	[tilespmem:s9], [sflag:$0x2] =	stream.indirect.gather [hbm4b:s2+s6], $0x80, s8, s6, $0xb8;
	[tilespmem:$0x19400] =	vst v63  }
0x1b: {  	s11 =	smul.u32 $0xFA00, s11;
	_ =	swait.ge [sflag:s10], $0xC800  }
0x1c: {  	[sflag:s10] =	ssyncset.done $0x0  }
0x1d: {  	s11 =	sadd.s32 s30, s11;
	[sflag:s10] =	ssyncadd.s32 $0xFFFF3800  }
0x1e: {  	[hbm4b:s11+s3] =	stream.linear.scatter [tilespmem:s7], [sflag:$0x3], $0xC800, $0x38;
	[tilespmem:$0x19400] =	vst v63  }
0x1f: {  	s16 =	sadd.s32 $0x320, s29;
	_ =	swait.ge [sflag:s4], $0xC800  }
0x20: {  	s12 =	sshrl.u32 s16, $0x3;
	[sflag:s4] =	ssyncset.done $0x0  }
0x21: {  	s12 =	sadd.s32 s28, s12;
	[sflag:s4] =	ssyncadd.s32 $0xFFFF3800  }
0x22: {  	[tilespmem:s3], [sflag:$0x3] =	stream.linear.gather [hbm4b:s12+s3], $0x190, $0x38;
	[tilespmem:$0x19400] =	vst v63  }
0x23: {  	_ =	swait.ge [sflag:s4], $0x190  }
0x24: {  	[sflag:s4] =	ssyncset.done $0x0  }
0x25: {  	s13 =	simm.s32 $0x2;
	[sflag:s4] =	ssyncadd.s32 $0xFFFFFE70  }
0x26: {  	[tilespmem:s7], [sflag:$0x1] =	stream.indirect.gather [hbm4b:s2+s6], $0x80, s3, s6, $0xb8;
	[tilespmem:$0x19400] =	vst v63  }
0x27: {  	_ =	swait.ge [sflag:s13], $0xC800  }
0x28: {  	s14 =	sshll.u32 s14, $0x4;
	[sflag:s13] =	ssyncset.done $0x0  }
0x29: {  	s14 =	sadd.s32 s30, s14;
	[sflag:s13] =	ssyncadd.s32 $0xFFFF3800  }
0x2a: {  	[hbm4b:s14+s3] =	stream.linear.scatter [tilespmem:s9], [sflag:$0x3], $0xC800, $0x38;
	[tilespmem:$0x19400] =	vst v63  }
0x2b: {  	s18 =	sadd.s32 $0x4B0, s29;
	_ =	swait.ge [sflag:s4], $0xC800  }
0x2c: {  	s15 =	sshrl.u32 s18, $0x3;
	[sflag:s4] =	ssyncset.done $0x0  }
0x2d: {  	s15 =	sadd.s32 s28, s15;
	[sflag:s4] =	ssyncadd.s32 $0xFFFF3800  }
0x2e: {  	[tilespmem:s8], [sflag:$0x3] =	stream.linear.gather [hbm4b:s15+s3], $0x190, $0x38;
	[tilespmem:$0x19400] =	vst v63  }
0x2f: {  	_ =	swait.ge [sflag:s4], $0x190  }
0x30: {  	[sflag:s4] =	ssyncset.done $0x0  }
0x31: {  	[sflag:s4] =	ssyncadd.s32 $0xFFFFFE70  }
0x32: {  	[tilespmem:s9], [sflag:$0x2] =	stream.indirect.gather [hbm4b:s2+s6], $0x80, s8, s6, $0xb8;
	[tilespmem:$0x19400] =	vst v63  }
0x33: {  	_ =	swait.ge [sflag:s10], $0xC800  }
0x34: {  	s16 =	sshll.u32 s16, $0x4;
	[sflag:s10] =	ssyncset.done $0x0  }
0x35: {  	s16 =	sadd.s32 s30, s16;
	[sflag:s10] =	ssyncadd.s32 $0xFFFF3800  }
0x36: {  	[hbm4b:s16+s3] =	stream.linear.scatter [tilespmem:s7], [sflag:$0x3], $0xC800, $0x38;
	[tilespmem:$0x19400] =	vst v63  }
0x37: {  	s20 =	sadd.s32 $0x640, s29;
	_ =	swait.ge [sflag:s4], $0xC800  }
0x38: {  	s17 =	sshrl.u32 s20, $0x3;
	[sflag:s4] =	ssyncset.done $0x0  }
0x39: {  	s17 =	sadd.s32 s28, s17;
	[sflag:s4] =	ssyncadd.s32 $0xFFFF3800  }
0x3a: {  	[tilespmem:s3], [sflag:$0x3] =	stream.linear.gather [hbm4b:s17+s3], $0x190, $0x38;
	[tilespmem:$0x19400] =	vst v63  }
0x3b: {  	_ =	swait.ge [sflag:s4], $0x190  }
0x3c: {  	[sflag:s4] =	ssyncset.done $0x0  }
0x3d: {  	[sflag:s4] =	ssyncadd.s32 $0xFFFFFE70  }
0x3e: {  	[tilespmem:s7], [sflag:$0x1] =	stream.indirect.gather [hbm4b:s2+s6], $0x80, s3, s6, $0xb8;
	[tilespmem:$0x19400] =	vst v63  }
0x3f: {  	_ =	swait.ge [sflag:s13], $0xC800  }
0x40: {  	s18 =	sshll.u32 s18, $0x4;
	[sflag:s13] =	ssyncset.done $0x0  }
0x41: {  	s18 =	sadd.s32 s30, s18;
	[sflag:s13] =	ssyncadd.s32 $0xFFFF3800  }
0x42: {  	[hbm4b:s18+s3] =	stream.linear.scatter [tilespmem:s9], [sflag:$0x3], $0xC800, $0x38;
	[tilespmem:$0x19400] =	vst v63  }
0x43: {  	s22 =	sadd.s32 $0x7D0, s29;
	_ =	swait.ge [sflag:s4], $0xC800  }
0x44: {  	s19 =	sshrl.u32 s22, $0x3;
	[sflag:s4] =	ssyncset.done $0x0  }
0x45: {  	s19 =	sadd.s32 s28, s19;
	[sflag:s4] =	ssyncadd.s32 $0xFFFF3800  }
0x46: {  	[tilespmem:s8], [sflag:$0x3] =	stream.linear.gather [hbm4b:s19+s3], $0x190, $0x38;
	[tilespmem:$0x19400] =	vst v63  }
0x47: {  	_ =	swait.ge [sflag:s4], $0x190  }
0x48: {  	[sflag:s4] =	ssyncset.done $0x0  }
0x49: {  	[sflag:s4] =	ssyncadd.s32 $0xFFFFFE70  }
0x4a: {  	[tilespmem:s9], [sflag:$0x2] =	stream.indirect.gather [hbm4b:s2+s6], $0x80, s8, s6, $0xb8;
	[tilespmem:$0x19400] =	vst v63  }
0x4b: {  	_ =	swait.ge [sflag:s10], $0xC800  }
0x4c: {  	s20 =	sshll.u32 s20, $0x4;
	[sflag:s10] =	ssyncset.done $0x0  }
0x4d: {  	s20 =	sadd.s32 s30, s20;
	[sflag:s10] =	ssyncadd.s32 $0xFFFF3800  }
0x4e: {  	[hbm4b:s20+s3] =	stream.linear.scatter [tilespmem:s7], [sflag:$0x3], $0xC800, $0x38;
	[tilespmem:$0x19400] =	vst v63  }
0x4f: {  	s24 =	sadd.s32 $0x960, s29;
	_ =	swait.ge [sflag:s4], $0xC800  }
0x50: {  	s21 =	sshrl.u32 s24, $0x3;
	[sflag:s4] =	ssyncset.done $0x0  }
0x51: {  	s21 =	sadd.s32 s28, s21;
	[sflag:s4] =	ssyncadd.s32 $0xFFFF3800  }
0x52: {  	[tilespmem:s3], [sflag:$0x3] =	stream.linear.gather [hbm4b:s21+s3], $0x190, $0x38;
	[tilespmem:$0x19400] =	vst v63  }
0x53: {  	_ =	swait.ge [sflag:s4], $0x190  }
0x54: {  	[sflag:s4] =	ssyncset.done $0x0  }
0x55: {  	[sflag:s4] =	ssyncadd.s32 $0xFFFFFE70  }
0x56: {  	[tilespmem:s7], [sflag:$0x1] =	stream.indirect.gather [hbm4b:s2+s6], $0x80, s3, s6, $0xb8;
	[tilespmem:$0x19400] =	vst v63  }
0x57: {  	_ =	swait.ge [sflag:s13], $0xC800  }
0x58: {  	s22 =	sshll.u32 s22, $0x4;
	[sflag:s13] =	ssyncset.done $0x0  }
0x59: {  	s22 =	sadd.s32 s30, s22;
	[sflag:s13] =	ssyncadd.s32 $0xFFFF3800  }
0x5a: {  	[hbm4b:s22+s3] =	stream.linear.scatter [tilespmem:s9], [sflag:$0x3], $0xC800, $0x38;
	[tilespmem:$0x19400] =	vst v63  }
0x5b: {  	s26 =	sadd.s32 $0xAF0, s29;
	_ =	swait.ge [sflag:s4], $0xC800  }
0x5c: {  	s23 =	sshrl.u32 s26, $0x3;
	[sflag:s4] =	ssyncset.done $0x0  }
0x5d: {  	s23 =	sadd.s32 s28, s23;
	[sflag:s4] =	ssyncadd.s32 $0xFFFF3800  }
0x5e: {  	[tilespmem:s8], [sflag:$0x3] =	stream.linear.gather [hbm4b:s23+s3], $0x190, $0x38;
	[tilespmem:$0x19400] =	vst v63  }
0x5f: {  	_ =	swait.ge [sflag:s4], $0x190  }
0x60: {  	[sflag:s4] =	ssyncset.done $0x0  }
0x61: {  	[sflag:s4] =	ssyncadd.s32 $0xFFFFFE70  }
0x62: {  	[tilespmem:s9], [sflag:$0x2] =	stream.indirect.gather [hbm4b:s2+s6], $0x80, s8, s6, $0xb8;
	[tilespmem:$0x19400] =	vst v63  }
0x63: {  	_ =	swait.ge [sflag:s10], $0xC800  }
0x64: {  	s24 =	sshll.u32 s24, $0x4;
	[sflag:s10] =	ssyncset.done $0x0  }
0x65: {  	s24 =	sadd.s32 s30, s24;
	[sflag:s10] =	ssyncadd.s32 $0xFFFF3800  }
0x66: {  	[hbm4b:s24+s3] =	stream.linear.scatter [tilespmem:s7], [sflag:$0x3], $0xC800, $0x38;
	[tilespmem:$0x19400] =	vst v63  }
0x67: {  	s0 =	sadd.s32 $0xC80, s29;
	_ =	swait.ge [sflag:s4], $0xC800  }
0x68: {  	s25 =	sshrl.u32 s0, $0x3;
	[sflag:s4] =	ssyncset.done $0x0  }
0x69: {  	s25 =	sadd.s32 s28, s25;
	[sflag:s4] =	ssyncadd.s32 $0xFFFF3800  }
0x6a: {  	[tilespmem:s3], [sflag:$0x3] =	stream.linear.gather [hbm4b:s25+s3], $0x190, $0x38;
	[tilespmem:$0x19400] =	vst v63  }
0x6b: {  	_ =	swait.ge [sflag:s4], $0x190  }
0x6c: {  	[sflag:s4] =	ssyncset.done $0x0  }
0x6d: {  	[sflag:s4] =	ssyncadd.s32 $0xFFFFFE70  }
0x6e: {  	[tilespmem:s7], [sflag:$0x1] =	stream.indirect.gather [hbm4b:s2+s6], $0x80, s3, s6, $0xb8;
	[tilespmem:$0x19400] =	vst v63  }
0x6f: {  	_ =	swait.ge [sflag:s13], $0xC800  }
0x70: {  	s26 =	sshll.u32 s26, $0x4;
	[sflag:s13] =	ssyncset.done $0x0  }
0x71: {  	s26 =	sadd.s32 s30, s26;
	[sflag:s13] =	ssyncadd.s32 $0xFFFF3800  }
0x72: {  	[hbm4b:s26+s3] =	stream.linear.scatter [tilespmem:s9], [sflag:$0x3], $0xC800, $0x38;
	[tilespmem:$0x19400] =	vst v63  }
0x73: {  	s1 =	sadd.s32 $0xE10, s29;
	_ =	swait.ge [sflag:s4], $0xC800  }
0x74: {  	s29 =	sshrl.u32 s1, $0x3;
	[sflag:s4] =	ssyncset.done $0x0  }
0x75: {  	s28 =	sadd.s32 s28, s29;
	[sflag:s4] =	ssyncadd.s32 $0xFFFF3800  }
0x76: {  	[tilespmem:s8], [sflag:$0x3] =	stream.linear.gather [hbm4b:s28+s3], $0x190, $0x38;
	[tilespmem:$0x19400] =	vst v63  }
0x77: {  	_ =	swait.ge [sflag:s4], $0x190  }
0x78: {  	[sflag:s4] =	ssyncset.done $0x0  }
0x79: {  	[sflag:s4] =	ssyncadd.s32 $0xFFFFFE70  }
0x7a: {  	[tilespmem:s9], [sflag:$0x2] =	stream.indirect.gather [hbm4b:s2+s6], $0x80, s8, s6, $0xb8;
	[tilespmem:$0x19400] =	vst v63  }
0x7b: {  	_ =	swait.ge [sflag:s10], $0xC800  }
0x7c: {  	s0 =	sshll.u32 s0, $0x4;
	[sflag:s10] =	ssyncset.done $0x0  }
0x7d: {  	s29 =	sadd.s32 s30, s0;
	s0 =	ssub.s32 $0x2, s31;
	[sflag:s10] =	ssyncadd.s32 $0xFFFF3800  }
0x7e: {  	[hbm4b:s29+s3] =	stream.linear.scatter [tilespmem:s7], [sflag:$0x3], $0xC800, $0x38;
	[tilespmem:$0x19400] =	vst v63  }
0x7f: {  	s31 =	sshrl.u32 s0, $0x1;
	_ =	swait.ge [sflag:s4], $0xC800  }
0x80: {  	s0 =	ssub.s32 s0, s31;
	[sflag:s4] =	ssyncset.done $0x0  }
0x81: {  	s0 =	smax.u32 s0, $0x1;
	[sflag:s4] =	ssyncadd.s32 $0xFFFF3800  }
0x82: {  	p0 =	sne.s32 s0, $0x1;
	_ =	swait.ge [sflag:s13], $0xC800  }
.Ltmp1:
0x83: {  	s1 =	sshll.u32 s1, $0x4;
	[sflag:s13] =	ssyncset.done $0x0;
	(pc) =	sbr.rel @!p0 .LBB2_3-.Ltmp1, $4  }
0x84: {  	s30 =	sadd.s32 s30, s1;
	[sflag:s13] =	ssyncadd.s32 $0xFFFF3800  }
0x85: {  	[hbm4b:s30+s3] =	stream.linear.scatter [tilespmem:s9], [sflag:$0x3], $0xC800, $0x38;
	[tilespmem:$0x19400] =	vst v63  }
0x86: {  	_ =	swait.ge [sflag:s4], $0xC800  }
0x87: {  	s31 =	sadd.s32 $0xFFFFFFFF, s0;
	[sflag:s4] =	ssyncset.done $0x0  }
.LBB2_2:
0x88: {  	[sflag:s4] =	ssyncadd.s32 $0xFFFF3800  }
0x89: {  	[tilespmem:s3], [sflag:$0x3] =	stream.linear.gather [hbm4b:s5+s3], $0x190, $0x38;
	[tilespmem:$0x19400] =	vst v63  }
0x8a: {  	_ =	swait.ge [sflag:s4], $0x190  }
0x8b: {  	[sflag:s4] =	ssyncset.done $0x0  }
0x8c: {  	[sflag:s4] =	ssyncadd.s32 $0xFFFFFE70  }
0x8d: {  	[tilespmem:s7], [sflag:$0x1] =	stream.indirect.gather [hbm4b:s2+s6], $0x80, s3, s6, $0xb8;
	[tilespmem:$0x19400] =	vst v63  }
0x8e: {  	s0 =	rddreg [dreg:$0x4]  }
0x8f: {  	[tilespmem:s8], [sflag:$0x3] =	stream.linear.gather [hbm4b:s0+s3], $0x190, $0x38;
	[tilespmem:$0x19400] =	vst v63  }
0x90: {  	_ =	swait.ge [sflag:s4], $0x190  }
0x91: {  	[sflag:s4] =	ssyncset.done $0x0  }
0x92: {  	[sflag:s4] =	ssyncadd.s32 $0xFFFFFE70  }
0x93: {  	[tilespmem:s9], [sflag:$0x2] =	stream.indirect.gather [hbm4b:s2+s6], $0x80, s8, s6, $0xb8;
	[tilespmem:$0x19400] =	vst v63  }
0x94: {  	_ =	swait.ge [sflag:s10], $0xC800  }
0x95: {  	[sflag:s10] =	ssyncset.done $0x0  }
0x96: {  	[sflag:s10] =	ssyncadd.s32 $0xFFFF3800  }
0x97: {  	[hbm4b:s11+s3] =	stream.linear.scatter [tilespmem:s7], [sflag:$0x3], $0xC800, $0x38;
	[tilespmem:$0x19400] =	vst v63  }
0x98: {  	_ =	swait.ge [sflag:s4], $0xC800  }
0x99: {  	[sflag:s4] =	ssyncset.done $0x0  }
0x9a: {  	[sflag:s4] =	ssyncadd.s32 $0xFFFF3800  }
0x9b: {  	[tilespmem:s3], [sflag:$0x3] =	stream.linear.gather [hbm4b:s12+s3], $0x190, $0x38;
	[tilespmem:$0x19400] =	vst v63  }
0x9c: {  	_ =	swait.ge [sflag:s4], $0x190  }
0x9d: {  	[sflag:s4] =	ssyncset.done $0x0  }
0x9e: {  	[sflag:s4] =	ssyncadd.s32 $0xFFFFFE70  }
0x9f: {  	[tilespmem:s7], [sflag:$0x1] =	stream.indirect.gather [hbm4b:s2+s6], $0x80, s3, s6, $0xb8;
	[tilespmem:$0x19400] =	vst v63  }
0xa0: {  	_ =	swait.ge [sflag:s13], $0xC800  }
0xa1: {  	[sflag:s13] =	ssyncset.done $0x0  }
0xa2: {  	[sflag:s13] =	ssyncadd.s32 $0xFFFF3800  }
0xa3: {  	[hbm4b:s14+s3] =	stream.linear.scatter [tilespmem:s9], [sflag:$0x3], $0xC800, $0x38;
	[tilespmem:$0x19400] =	vst v63  }
0xa4: {  	_ =	swait.ge [sflag:s4], $0xC800  }
0xa5: {  	[sflag:s4] =	ssyncset.done $0x0  }
0xa6: {  	[sflag:s4] =	ssyncadd.s32 $0xFFFF3800  }
0xa7: {  	[tilespmem:s8], [sflag:$0x3] =	stream.linear.gather [hbm4b:s15+s3], $0x190, $0x38;
	[tilespmem:$0x19400] =	vst v63  }
0xa8: {  	_ =	swait.ge [sflag:s4], $0x190  }
0xa9: {  	[sflag:s4] =	ssyncset.done $0x0  }
0xaa: {  	[sflag:s4] =	ssyncadd.s32 $0xFFFFFE70  }
0xab: {  	[tilespmem:s9], [sflag:$0x2] =	stream.indirect.gather [hbm4b:s2+s6], $0x80, s8, s6, $0xb8;
	[tilespmem:$0x19400] =	vst v63  }
0xac: {  	_ =	swait.ge [sflag:s10], $0xC800  }
0xad: {  	[sflag:s10] =	ssyncset.done $0x0  }
0xae: {  	[sflag:s10] =	ssyncadd.s32 $0xFFFF3800  }
0xaf: {  	[hbm4b:s16+s3] =	stream.linear.scatter [tilespmem:s7], [sflag:$0x3], $0xC800, $0x38;
	[tilespmem:$0x19400] =	vst v63  }
0xb0: {  	_ =	swait.ge [sflag:s4], $0xC800  }
0xb1: {  	[sflag:s4] =	ssyncset.done $0x0  }
0xb2: {  	[sflag:s4] =	ssyncadd.s32 $0xFFFF3800  }
0xb3: {  	[tilespmem:s3], [sflag:$0x3] =	stream.linear.gather [hbm4b:s17+s3], $0x190, $0x38;
	[tilespmem:$0x19400] =	vst v63  }
0xb4: {  	_ =	swait.ge [sflag:s4], $0x190  }
0xb5: {  	[sflag:s4] =	ssyncset.done $0x0  }
0xb6: {  	[sflag:s4] =	ssyncadd.s32 $0xFFFFFE70  }
0xb7: {  	[tilespmem:s7], [sflag:$0x1] =	stream.indirect.gather [hbm4b:s2+s6], $0x80, s3, s6, $0xb8;
	[tilespmem:$0x19400] =	vst v63  }
0xb8: {  	_ =	swait.ge [sflag:s13], $0xC800  }
0xb9: {  	[sflag:s13] =	ssyncset.done $0x0  }
0xba: {  	[sflag:s13] =	ssyncadd.s32 $0xFFFF3800  }
0xbb: {  	[hbm4b:s18+s3] =	stream.linear.scatter [tilespmem:s9], [sflag:$0x3], $0xC800, $0x38;
	[tilespmem:$0x19400] =	vst v63  }
0xbc: {  	_ =	swait.ge [sflag:s4], $0xC800  }
0xbd: {  	[sflag:s4] =	ssyncset.done $0x0  }
0xbe: {  	[sflag:s4] =	ssyncadd.s32 $0xFFFF3800  }
0xbf: {  	[tilespmem:s8], [sflag:$0x3] =	stream.linear.gather [hbm4b:s19+s3], $0x190, $0x38;
	[tilespmem:$0x19400] =	vst v63  }
0xc0: {  	_ =	swait.ge [sflag:s4], $0x190  }
0xc1: {  	[sflag:s4] =	ssyncset.done $0x0  }
0xc2: {  	[sflag:s4] =	ssyncadd.s32 $0xFFFFFE70  }
0xc3: {  	[tilespmem:s9], [sflag:$0x2] =	stream.indirect.gather [hbm4b:s2+s6], $0x80, s8, s6, $0xb8;
	[tilespmem:$0x19400] =	vst v63  }
0xc4: {  	_ =	swait.ge [sflag:s10], $0xC800  }
0xc5: {  	[sflag:s10] =	ssyncset.done $0x0  }
0xc6: {  	[sflag:s10] =	ssyncadd.s32 $0xFFFF3800  }
0xc7: {  	[hbm4b:s20+s3] =	stream.linear.scatter [tilespmem:s7], [sflag:$0x3], $0xC800, $0x38;
	[tilespmem:$0x19400] =	vst v63  }
0xc8: {  	_ =	swait.ge [sflag:s4], $0xC800  }
0xc9: {  	[sflag:s4] =	ssyncset.done $0x0  }
0xca: {  	[sflag:s4] =	ssyncadd.s32 $0xFFFF3800  }
0xcb: {  	[tilespmem:s3], [sflag:$0x3] =	stream.linear.gather [hbm4b:s21+s3], $0x190, $0x38;
	[tilespmem:$0x19400] =	vst v63  }
0xcc: {  	_ =	swait.ge [sflag:s4], $0x190  }
0xcd: {  	[sflag:s4] =	ssyncset.done $0x0  }
0xce: {  	[sflag:s4] =	ssyncadd.s32 $0xFFFFFE70  }
0xcf: {  	[tilespmem:s7], [sflag:$0x1] =	stream.indirect.gather [hbm4b:s2+s6], $0x80, s3, s6, $0xb8;
	[tilespmem:$0x19400] =	vst v63  }
0xd0: {  	_ =	swait.ge [sflag:s13], $0xC800  }
0xd1: {  	[sflag:s13] =	ssyncset.done $0x0  }
0xd2: {  	[sflag:s13] =	ssyncadd.s32 $0xFFFF3800  }
0xd3: {  	[hbm4b:s22+s3] =	stream.linear.scatter [tilespmem:s9], [sflag:$0x3], $0xC800, $0x38;
	[tilespmem:$0x19400] =	vst v63  }
0xd4: {  	_ =	swait.ge [sflag:s4], $0xC800  }
0xd5: {  	[sflag:s4] =	ssyncset.done $0x0  }
0xd6: {  	[sflag:s4] =	ssyncadd.s32 $0xFFFF3800  }
0xd7: {  	[tilespmem:s8], [sflag:$0x3] =	stream.linear.gather [hbm4b:s23+s3], $0x190, $0x38;
	[tilespmem:$0x19400] =	vst v63  }
0xd8: {  	_ =	swait.ge [sflag:s4], $0x190  }
0xd9: {  	[sflag:s4] =	ssyncset.done $0x0  }
0xda: {  	[sflag:s4] =	ssyncadd.s32 $0xFFFFFE70  }
0xdb: {  	[tilespmem:s9], [sflag:$0x2] =	stream.indirect.gather [hbm4b:s2+s6], $0x80, s8, s6, $0xb8;
	[tilespmem:$0x19400] =	vst v63  }
0xdc: {  	_ =	swait.ge [sflag:s10], $0xC800  }
0xdd: {  	[sflag:s10] =	ssyncset.done $0x0  }
0xde: {  	[sflag:s10] =	ssyncadd.s32 $0xFFFF3800  }
0xdf: {  	[hbm4b:s24+s3] =	stream.linear.scatter [tilespmem:s7], [sflag:$0x3], $0xC800, $0x38;
	[tilespmem:$0x19400] =	vst v63  }
0xe0: {  	_ =	swait.ge [sflag:s4], $0xC800  }
0xe1: {  	[sflag:s4] =	ssyncset.done $0x0  }
0xe2: {  	[sflag:s4] =	ssyncadd.s32 $0xFFFF3800  }
0xe3: {  	[tilespmem:s3], [sflag:$0x3] =	stream.linear.gather [hbm4b:s25+s3], $0x190, $0x38;
	[tilespmem:$0x19400] =	vst v63  }
0xe4: {  	_ =	swait.ge [sflag:s4], $0x190  }
0xe5: {  	[sflag:s4] =	ssyncset.done $0x0  }
0xe6: {  	[sflag:s4] =	ssyncadd.s32 $0xFFFFFE70  }
0xe7: {  	[tilespmem:s7], [sflag:$0x1] =	stream.indirect.gather [hbm4b:s2+s6], $0x80, s3, s6, $0xb8;
	[tilespmem:$0x19400] =	vst v63  }
0xe8: {  	_ =	swait.ge [sflag:s13], $0xC800  }
0xe9: {  	[sflag:s13] =	ssyncset.done $0x0  }
0xea: {  	[sflag:s13] =	ssyncadd.s32 $0xFFFF3800  }
0xeb: {  	[hbm4b:s26+s3] =	stream.linear.scatter [tilespmem:s9], [sflag:$0x3], $0xC800, $0x38;
	[tilespmem:$0x19400] =	vst v63  }
0xec: {  	_ =	swait.ge [sflag:s4], $0xC800  }
0xed: {  	[sflag:s4] =	ssyncset.done $0x0  }
0xee: {  	[sflag:s4] =	ssyncadd.s32 $0xFFFF3800  }
0xef: {  	[tilespmem:s8], [sflag:$0x3] =	stream.linear.gather [hbm4b:s28+s3], $0x190, $0x38;
	[tilespmem:$0x19400] =	vst v63  }
0xf0: {  	_ =	swait.ge [sflag:s4], $0x190  }
0xf1: {  	[sflag:s4] =	ssyncset.done $0x0  }
0xf2: {  	[sflag:s4] =	ssyncadd.s32 $0xFFFFFE70  }
0xf3: {  	[tilespmem:s9], [sflag:$0x2] =	stream.indirect.gather [hbm4b:s2+s6], $0x80, s8, s6, $0xb8;
	[tilespmem:$0x19400] =	vst v63  }
0xf4: {  	_ =	swait.ge [sflag:s10], $0xC800  }
0xf5: {  	[sflag:s10] =	ssyncset.done $0x0  }
0xf6: {  	[sflag:s10] =	ssyncadd.s32 $0xFFFF3800  }
0xf7: {  	[hbm4b:s29+s3] =	stream.linear.scatter [tilespmem:s7], [sflag:$0x3], $0xC800, $0x38;
	[tilespmem:$0x19400] =	vst v63  }
0xf8: {  	_ =	swait.ge [sflag:s4], $0xC800  }
0xf9: {  	[sflag:s4] =	ssyncset.done $0x0  }
0xfa: {  	[sflag:s4] =	ssyncadd.s32 $0xFFFF3800  }
0xfb: {  	p0 =	sne.s32 s31, $0x1;
	_ =	swait.ge [sflag:s13], $0xC800  }
.Ltmp2:
0xfc: {  	[sflag:s13] =	ssyncset.done $0x0;
	(pc) =	sbr.rel @p0 .LBB2_2-.Ltmp2, $4  }
0xfd: {  	[sflag:s13] =	ssyncadd.s32 $0xFFFF3800  }
0xfe: {  	[hbm4b:s30+s3] =	stream.linear.scatter [tilespmem:s9], [sflag:$0x3], $0xC800, $0x38;
	[tilespmem:$0x19400] =	vst v63  }
0xff: {  	_ =	swait.ge [sflag:s4], $0xC800  }
0x100: {  	s31 =	sadd.s32 $0xFFFFFFFF, s31;
	[sflag:s4] =	ssyncset.done $0x0  }
.LBB2_3:
0x101: {  	[sflag:s4] =	ssyncadd.s32 $0xFFFF3800  }
0x102: {  	s1 =	stileid.u32;
	s0 =	rddreg [dreg:$0x3]  }
.LBB2_4:
0x103: {  	_ =	sfence.sel $0x180000  }
0x104: {  	[bflag:$0x0] =	sbarrier.arrive $0xFFFF  }
0x105: {  	p0 =	sne.s32 s1, $0x0;
	_ =	strace $0x90000047  }
0x106: {  	s0 =	sadd.s32 @!p0 $0x100000, s0;
	[bflag:$0x2] =	sbarrier.arrive $0xFFFF  }
0x107: {  	[sflag:s0] =	ssyncadd.tile.s32 @!p0 $0x1;
	_ =	shalt  }
.Lfunc_end2:
_tile_overlayer_lowered:
.L_overlay_start_2:
0x108: {  	(tag) =	ssettag $0x2  }
0x109: {  	s0 =	rddreg [dreg:$0x0];
	s2 =	stileid.u32  }
0x10a: {  	s1 =	rddreg [dreg:$0x1];
	p0 =	sne.s32 s2, $0x0  }
0x10b: {  	s3 =	rddreg [dreg:$0x2];
	[bflag:$0x3] =	sbarrier.arrive $0xFFFF;
	s2 =	simm.s32 @!p0 $0x1C03  }
0x10c: {  	[timem:s3], [sflag:s2] =	dma.local @!p0 [hbm:s0], s1  }
0x10d: {  	s0 =	simm.s32 @!p0 $0x3  }
0x10e: {  	_ =	swait.ge @!p0 [sflag:s0], s1  }
0x10f: {  	s1 =	ssub.s32 @!p0 $0x0, s1;
	[sflag:s0] =	ssyncset.done @!p0 $0x0  }
0x110: {  	[sflag:s0] =	ssyncadd.s32 @!p0 s1  }
0x111: {  	[bflag:$0x3] =	sbarrier.arrive $0xFFFF  }
0x112: {  	_ =	shalt  }

</sc_bundles>
